<compile_context>
chip_gen: v7x
topology: tpu7x:2x2x1
jax: 0.10.2.dev20260603
libtpu: 0.0.44.dev20260713+nightly
codegen_flags: <defaults>
</compile_context>

<pallas_src>
import jax
import jax.numpy as jnp
from jax import lax
from jax.experimental import pallas as pl
from jax.experimental.pallas import tpu as pltpu
from jax.experimental.pallas import tpu_sc as plsc

N_NODES = 10000
N_EDGES = 320000
N_GRAPHS = 100
D_FEAT = 128
HID = 16
N_MIC = 10
N_ACTS = 8

NC = 2
NS = 16
NW = NC * NS
CHA = 128
ROWS_A = 80
N_ROWS = NW * ROWS_A
E_PAD = N_ROWS * CHA
NPAD = 10240
NPK = NPAD // 16
NPK_X = N_NODES // 16
G_PAD = 128
POOL_CH = NPAD // NW

_HIGH = lax.Precision.HIGHEST
NBUF = 4


def _sc_deg_body(eip, zeros1, ones1, deg_out, idx_v, ones_v, sh_deg, dsem):
    c = lax.axis_index("c")
    s = lax.axis_index("s")

    @pl.when(s == 0)
    def _init():
        pltpu.sync_copy(zeros1, sh_deg)

    pltpu.sync_copy(ones1, ones_v)
    wid = s * NC + c
    pltpu.sync_copy(eip.at[1].at[pl.ds(wid * ROWS_A, ROWS_A)], idx_v)
    plsc.subcore_barrier()

    def group(g, carry):
        descs = [
            pltpu.async_copy(ones_v, sh_deg.at[idx_v.at[4 * g + b]], dsem,
                             add=True)
            for b in range(4)
        ]
        for d in descs:
            d.wait()
        return carry

    lax.fori_loop(0, ROWS_A // 4, group, 0)
    plsc.subcore_barrier()

    @pl.when(s == 0)
    def _flush():
        pltpu.sync_copy(sh_deg, deg_out.at[c])


def _sc_agg_body(eia, xn, zeros16, agg_out,
                 sidx, didx, bufs, sh_acc, xn_sh, gsems, ssems):
    c = lax.axis_index("c")
    s = lax.axis_index("s")

    @pl.when(s == 0)
    def _init():
        pltpu.sync_copy(zeros16, sh_acc)
        pltpu.sync_copy(xn, xn_sh)

    wid = s * NC + c
    pltpu.sync_copy(eia.at[0].at[pl.ds(wid * ROWS_A, ROWS_A)], sidx)
    pltpu.sync_copy(eia.at[1].at[pl.ds(wid * ROWS_A, ROWS_A)], didx)
    plsc.subcore_barrier()

    for b in range(NBUF):
        pltpu.async_copy(xn_sh.at[sidx.at[b]], bufs[b], gsems[b])

    def step(t, carry):
        j = NBUF * t
        for b in range(NBUF):
            pltpu.make_async_copy(xn_sh.at[sidx.at[j + b]], bufs[b],
                                  gsems[b]).wait()
            pltpu.async_copy(bufs[b], sh_acc.at[didx.at[j + b]], ssems[b],
                             add=True)
        for b in range(NBUF):
            @pl.when(j + b + NBUF < ROWS_A)
            def _next(b=b):
                pltpu.make_async_copy(bufs[b], sh_acc.at[didx.at[j + b]],
                                      ssems[b]).wait()
                pltpu.async_copy(xn_sh.at[sidx.at[j + b + NBUF]], bufs[b],
                                 gsems[b])
        return carry

    lax.fori_loop(0, ROWS_A // NBUF, step, 0)
    for b in range(NBUF):
        pltpu.make_async_copy(bufs[b],
                              sh_acc.at[didx.at[ROWS_A - NBUF + b]],
                              ssems[b]).wait()
    plsc.subcore_barrier()

    @pl.when(s == 0)
    def _flush():
        pltpu.sync_copy(sh_acc, agg_out.at[c])


def _sc_pool_body(h, batch3, ones16, zerosg, sums_out, cnt_out,
                  bidx, h_v, ones_v, sh_sums, sh_cnt, psem):
    c = lax.axis_index("c")
    s = lax.axis_index("s")

    @pl.when(s == 0)
    def _init():
        pltpu.sync_copy(zerosg, sh_sums)
        pltpu.sync_copy(zerosg, sh_cnt)

    wid = s * NC + c
    pltpu.sync_copy(batch3.at[wid], bidx)
    pltpu.sync_copy(h.at[pl.ds(wid * POOL_CH, POOL_CH)], h_v)
    pltpu.sync_copy(ones16, ones_v)
    plsc.subcore_barrier()

    d1 = pltpu.async_copy(h_v, sh_sums.at[bidx], psem, add=True)
    d2 = pltpu.async_copy(ones_v, sh_cnt.at[bidx], psem, add=True)
    d1.wait()
    d2.wait()
    plsc.subcore_barrier()

    @pl.when(s == 0)
    def _flush():
        pltpu.sync_copy(sh_sums, sums_out.at[c])
        pltpu.sync_copy(sh_cnt, cnt_out.at[c])


def _tc_xw_body(x3_ref, w_ref, xw_ref):
    cols = []
    for k in range(16):
        xk = x3_ref[:, k, :]
        cols.append(jnp.dot(xk, w_ref[...],
                            preferred_element_type=jnp.float32,
                            precision=_HIGH))
    xw_p = jnp.concatenate(cols, axis=1)
    xw_ref[...] = jnp.concatenate(
        [xw_p, jnp.zeros((NPK - NPK_X, 16 * HID), jnp.float32)], axis=0)


def _tc_xn_body(xw_ref, degp_ref, bmat_ref, xn_ref, dinv_ref):
    deg2 = degp_ref[0] + degp_ref[1]
    deg_p = jnp.dot(deg2, bmat_ref[...],
                    preferred_element_type=jnp.float32,
                    precision=_HIGH) + 1.0
    dinv_p = lax.rsqrt(deg_p)
    dinv_ref[...] = dinv_p
    xn_ref[...] = xw_ref[...] * dinv_p


def _tc_h_body(aggp_ref, xn_ref, dinv_ref, bconv_ref, h_ref):
    agg = aggp_ref[0] + aggp_ref[1] + xn_ref[...]
    h_ref[...] = jnp.maximum(dinv_ref[...] * agg + bconv_ref[...], 0.0)


def _elu(v):
    return jnp.where(v > 0.0, v, jnp.exp(jnp.minimum(v, 0.0)) - 1.0)


def _tc_head_body(sums_ref, cnt_ref, w1_ref, b1_ref, w2_ref, b2_ref,
                  wout_ref, bout_ref, out_ref):
    sums = sums_ref[0] + sums_ref[1]
    cnt = cnt_ref[0] + cnt_ref[1]
    g = sums / jnp.maximum(cnt, 1.0)
    g = _elu(jnp.dot(g, w1_ref[...],
                     preferred_element_type=jnp.float32, precision=_HIGH)
             + b1_ref[...])
    g = _elu(jnp.dot(g, w2_ref[...],
                     preferred_element_type=jnp.float32, precision=_HIGH)
             + b2_ref[...])
    out_ref[...] = jnp.dot(g, wout_ref[...],
                           preferred_element_type=jnp.float32,
                           precision=_HIGH) + bout_ref[...]


def kernel(x, edge_index, batch, W_conv, b_conv, W1, b1, W2, b2, W_out, b_out):
    f32 = jnp.float32
    eip = jnp.pad(edge_index.astype(jnp.int32),
                  ((0, 0), (0, E_PAD - N_EDGES)),
                  constant_values=N_NODES).reshape(2, N_ROWS, CHA)
    zeros16 = jnp.zeros((NPAD, HID), f32)
    zeros1 = jnp.zeros((NPAD,), f32)
    ones1 = jnp.ones((CHA,), f32)
    ones16 = jnp.ones((POOL_CH, HID), f32)
    zerosg = jnp.zeros((G_PAD, HID), f32)
    bmat = jnp.repeat(jnp.eye(16, dtype=f32), 16, axis=1)
    batch3 = jnp.pad(batch.astype(jnp.int32), (0, NPAD - N_NODES),
                     constant_values=G_PAD - 1).reshape(NW, POOL_CH)

    mesh = plsc.VectorSubcoreMesh(core_axis_name="c", subcore_axis_name="s",
                                  num_cores=NC, num_subcores=NS)
    sc_params = pltpu.CompilerParams(use_tc_tiling_on_sc=False)

    deg_parts = pl.kernel(
        _sc_deg_body,
        out_type=jax.ShapeDtypeStruct((NC, NPAD), f32),
        mesh=mesh,
        scratch_types=[
            pltpu.VMEM((ROWS_A, CHA), jnp.int32),
            pltpu.VMEM((CHA,), f32),
            pltpu.VMEM_SHARED((NPAD,), f32),
            pltpu.SemaphoreType.DMA,
        ],
        compiler_params=sc_params,
    )(eip, zeros1, ones1)

    xw_p = pl.pallas_call(
        _tc_xw_body,
        out_shape=jax.ShapeDtypeStruct((NPK, 16 * HID), f32),
    )(x.reshape(NPK_X, 16, D_FEAT), W_conv)

    xn_p, dinv_p = pl.pallas_call(
        _tc_xn_body,
        out_shape=(jax.ShapeDtypeStruct((NPK, 16 * HID), f32),
                   jax.ShapeDtypeStruct((NPK, 16 * HID), f32)),
    )(xw_p, deg_parts.reshape(NC, NPK, 16), bmat)

    agg_parts = pl.kernel(
        _sc_agg_body,
        out_type=jax.ShapeDtypeStruct((NC, NPAD, HID), f32),
        mesh=mesh,
        scratch_types=[
            pltpu.VMEM((ROWS_A, CHA), jnp.int32),
            pltpu.VMEM((ROWS_A, CHA), jnp.int32),
            [pltpu.VMEM((CHA, HID), f32) for _ in range(NBUF)],
            pltpu.VMEM_SHARED((NPAD, HID), f32),
            pltpu.VMEM_SHARED((NPAD, HID), f32),
            [pltpu.SemaphoreType.DMA for _ in range(NBUF)],
            [pltpu.SemaphoreType.DMA for _ in range(NBUF)],
        ],
        compiler_params=sc_params,
    )(eip, xn_p.reshape(NPAD, HID), zeros16)

    h_p = pl.pallas_call(
        _tc_h_body,
        out_shape=jax.ShapeDtypeStruct((NPK, 16 * HID), f32),
    )(agg_parts.reshape(NC, NPK, 16 * HID), xn_p, dinv_p,
      jnp.tile(b_conv.astype(f32), 16).reshape(1, 16 * HID))

    sums_parts, cnt_parts = pl.kernel(
        _sc_pool_body,
        out_type=(jax.ShapeDtypeStruct((NC, G_PAD, HID), f32),
                  jax.ShapeDtypeStruct((NC, G_PAD, HID), f32)),
        mesh=mesh,
        scratch_types=[
            pltpu.VMEM((POOL_CH,), jnp.int32),
            pltpu.VMEM((POOL_CH, HID), f32),
            pltpu.VMEM((POOL_CH, HID), f32),
            pltpu.VMEM_SHARED((G_PAD, HID), f32),
            pltpu.VMEM_SHARED((G_PAD, HID), f32),
            pltpu.SemaphoreType.DMA,
        ],
        compiler_params=sc_params,
    )(h_p.reshape(NPAD, HID), batch3, ones16, zerosg)

    woutr = W_out.transpose(1, 0, 2).reshape(HID * 4, N_MIC * N_ACTS)
    boutr = b_out.reshape(1, N_MIC * N_ACTS)

    outp = pl.pallas_call(
        _tc_head_body,
        out_shape=jax.ShapeDtypeStruct((G_PAD, N_MIC * N_ACTS), f32),
    )(sums_parts, cnt_parts, W1, b1.reshape(1, 64), W2, b2.reshape(1, 64),
      woutr, boutr)

    return outp[:N_GRAPHS].reshape(N_GRAPHS, N_MIC, N_ACTS)

# --- scband reference (transcript-rebuilt; emitter-appended) ---
"""Pipeline reference for scband-chain-graph-dqn-45019847197224 (READ-ONLY COPY).

The authoritative reference and input builder live on the scoring server;
editing this copy changes nothing except your own understanding.
"""

import jax, jax.numpy as jnp
import numpy as np

N_NODES = 10000
N_EDGES = 320000
N_GRAPHS = 100
D_FEAT = 128
HID = 16
N_MICRO = 10
N_ACT = 8


def gcn_conv(x, edge_index, W, b):
    n = x.shape[0]
    sl = jnp.arange(n, dtype=edge_index.dtype)
    src = jnp.concatenate([edge_index[0], sl])
    dst = jnp.concatenate([edge_index[1], sl])
    xw = x @ W
    deg = jnp.zeros((n,), xw.dtype).at[dst].add(1.0)
    dinv = jax.lax.rsqrt(deg)
    norm = dinv[src] * dinv[dst]
    msg = xw[src] * norm[:, None]
    out = jnp.zeros((n, W.shape[1]), xw.dtype).at[dst].add(msg)
    return out + b


def setup_inputs(seed: int = 0):
    key = jax.random.key(seed)
    ks = jax.random.split(key, 8)
    x = jax.random.normal(ks[0], (N_NODES, D_FEAT), dtype=jnp.float32)
    edge_index = jax.random.randint(ks[1], (2, N_EDGES), 0, N_NODES)
    batch = jnp.sort(jax.random.randint(ks[2], (N_NODES,), 0, N_GRAPHS))
    W_conv = jax.random.normal(ks[3], (D_FEAT, HID), jnp.float32) * (1.0 / np.sqrt(D_FEAT))
    b_conv = jnp.zeros((HID,), jnp.float32)
    W1 = jax.random.normal(ks[4], (HID, 64), jnp.float32) * (1.0 / np.sqrt(HID))
    b1 = jnp.zeros((64,), jnp.float32)
    W2 = jax.random.normal(ks[5], (64, 64), jnp.float32) * (1.0 / 8.0)
    b2 = jnp.zeros((64,), jnp.float32)
    W_out = jax.random.normal(ks[6], (N_MICRO, 64, N_ACT), jnp.float32) * (1.0 / 8.0)
    b_out = jnp.zeros((N_MICRO, N_ACT), jnp.float32)
    return {"x": x, "edge_index": edge_index, "batch": batch,
            "W_conv": W_conv, "b_conv": b_conv, "W1": W1, "b1": b1,
            "W2": W2, "b2": b2, "W_out": W_out, "b_out": b_out}


def reference(x, edge_index, batch, W_conv, b_conv, W1, b1, W2, b2, W_out, b_out):
    h = jax.nn.relu(gcn_conv(x, edge_index, W_conv, b_conv))
    sums = jax.ops.segment_sum(h, batch, num_segments=N_GRAPHS)
    cnt = jax.ops.segment_sum(jnp.ones((h.shape[0], 1), h.dtype), batch, num_segments=N_GRAPHS)
    g = sums / jnp.maximum(cnt, 1.0)
    g = jax.nn.elu(g @ W1 + b1)
    g = jax.nn.elu(g @ W2 + b2)
    out = jnp.einsum('bd,mda->bma', g, W_out) + b_out
    return out

if __name__ == "__main__":
    import jax
    _d = setup_inputs()
    print(jax.jit(kernel)(*tuple(_d.values())))

</pallas_src>

<mosaic_0001>
#map = affine_map<(d0, d1) -> (0, 0, 0)>
#map1 = affine_map<(d0, d1) -> (0, 0)>
module attributes {stable_mosaic.version = 14 : i64} {
  func.func @_sc_agg_body(%arg0: i32, %arg1: i32, %arg2: memref<2x2560x128xi32, #tpu.memory_space<hbm>>, %arg3: memref<10240x16xf32, #tpu.memory_space<hbm>>, %arg4: memref<10240x16xf32, #tpu.memory_space<hbm>>, %arg5: memref<2x10240x16xf32, #tpu.memory_space<hbm>>, %arg6: memref<80x128xi32, #tpu.memory_space<vmem>>, %arg7: memref<80x128xi32, #tpu.memory_space<vmem>>, %arg8: memref<128x16xf32, #tpu.memory_space<vmem>>, %arg9: memref<128x16xf32, #tpu.memory_space<vmem>>, %arg10: memref<128x16xf32, #tpu.memory_space<vmem>>, %arg11: memref<128x16xf32, #tpu.memory_space<vmem>>, %arg12: memref<10240x16xf32, #tpu.memory_space<vmem_shared>>, %arg13: memref<10240x16xf32, #tpu.memory_space<vmem_shared>>, %arg14: memref<!tpu.dma_semaphore, #tpu.memory_space<semaphore_mem>>, %arg15: memref<!tpu.dma_semaphore, #tpu.memory_space<semaphore_mem>>, %arg16: memref<!tpu.dma_semaphore, #tpu.memory_space<semaphore_mem>>, %arg17: memref<!tpu.dma_semaphore, #tpu.memory_space<semaphore_mem>>, %arg18: memref<!tpu.dma_semaphore, #tpu.memory_space<semaphore_mem>>, %arg19: memref<!tpu.dma_semaphore, #tpu.memory_space<semaphore_mem>>, %arg20: memref<!tpu.dma_semaphore, #tpu.memory_space<semaphore_mem>>, %arg21: memref<!tpu.dma_semaphore, #tpu.memory_space<semaphore_mem>>) attributes {dimension_semantics = [#tpu.dimension_semantics<core_parallel>, #tpu.dimension_semantics<subcore_parallel>], iteration_bounds = array<i64: 2, 16>, scalar_prefetch = 0 : i64, scratch_operands = 16 : i64, tpu.core_type = #tpu.core_type<sc_vector_subcore>, window_params = [{transform_indices = #map}, {transform_indices = #map1}, {transform_indices = #map1}, {transform_indices = #map}]} {
    %eq3A = arith.constant 0 : i32
    %eq3A_0 = arith.cmpi eq, %arg1, %eq3A : i32
    %convert_element_type3A = arith.extui %eq3A_0 : i1 to i32
    %cond3A = arith.constant 0 : i32
    %cond3A_1 = arith.cmpi ne, %convert_element_type3A, %cond3A : i32
    scf.if %cond3A_1 {
      "tpu.region"() ({
        %run_scoped3A_73 = tpu.sem_alloc : memref<!tpu.dma_semaphore, #tpu.memory_space<semaphore_mem>>
        tpu.enqueue_dma source(%arg4 : memref<10240x16xf32, #tpu.memory_space<hbm>>) target(%arg12 : memref<10240x16xf32, #tpu.memory_space<vmem_shared>>) target_semaphore(%run_scoped3A_73 : memref<!tpu.dma_semaphore, #tpu.memory_space<semaphore_mem>>)
        tpu.wait_dma2 semaphore(%run_scoped3A_73 : memref<!tpu.dma_semaphore, #tpu.memory_space<semaphore_mem>>) src(%arg4 : memref<10240x16xf32, #tpu.memory_space<hbm>>) dst(%arg12 : memref<10240x16xf32, #tpu.memory_space<vmem_shared>>)
        tpu.yield
      }) : () -> ()
      "tpu.region"() ({
        %run_scoped3A_73 = tpu.sem_alloc : memref<!tpu.dma_semaphore, #tpu.memory_space<semaphore_mem>>
        tpu.enqueue_dma source(%arg3 : memref<10240x16xf32, #tpu.memory_space<hbm>>) target(%arg13 : memref<10240x16xf32, #tpu.memory_space<vmem_shared>>) target_semaphore(%run_scoped3A_73 : memref<!tpu.dma_semaphore, #tpu.memory_space<semaphore_mem>>)
        tpu.wait_dma2 semaphore(%run_scoped3A_73 : memref<!tpu.dma_semaphore, #tpu.memory_space<semaphore_mem>>) src(%arg3 : memref<10240x16xf32, #tpu.memory_space<hbm>>) dst(%arg13 : memref<10240x16xf32, #tpu.memory_space<vmem_shared>>)
        tpu.yield
      }) : () -> ()
    } else {
    }
    %mul3A = arith.constant 2 : i32
    %mul3A_2 = arith.muli %arg1, %mul3A : i32
    %add3A = arith.addi %mul3A_2, %arg0 : i32
    %mul3A_3 = arith.constant 80 : i32
    %mul3A_4 = arith.muli %add3A, %mul3A_3 : i32
    %run_scoped3A = arith.constant 0 : i32
    "tpu.region"() ({
      %run_scoped3A_73 = tpu.sem_alloc : memref<!tpu.dma_semaphore, #tpu.memory_space<semaphore_mem>>
      %dma_start3A_74 = arith.constant 0 : i32
      %dma_start3A_75 = arith.constant 0 : i32
      %dma_start3A_76 = tpu.memref_slice %arg2[%run_scoped3A, %dma_start3A_74, %dma_start3A_75] : memref<2x2560x128xi32, #tpu.memory_space<hbm>> -> memref<1x2560x128xi32, #tpu.memory_space<hbm>>
      %dma_start3A_77 = tpu.memref_squeeze %dma_start3A_76 : memref<1x2560x128xi32, #tpu.memory_space<hbm>> -> memref<2560x128xi32, #tpu.memory_space<hbm>>
      %dma_start3A_78 = arith.constant 0 : i32
      %dma_start3A_79 = tpu.memref_slice %dma_start3A_77[%mul3A_4, %dma_start3A_78] : memref<2560x128xi32, #tpu.memory_space<hbm>> -> memref<80x128xi32, #tpu.memory_space<hbm>>
      %dma_start3A_80 = arith.constant 0 : i32
      %dma_start3A_81 = arith.constant 0 : i32
      %dma_start3A_82 = tpu.memref_slice %arg2[%run_scoped3A, %dma_start3A_80, %dma_start3A_81] : memref<2x2560x128xi32, #tpu.memory_space<hbm>> -> memref<1x2560x128xi32, #tpu.memory_space<hbm>>
      %dma_start3A_83 = tpu.memref_squeeze %dma_start3A_82 : memref<1x2560x128xi32, #tpu.memory_space<hbm>> -> memref<2560x128xi32, #tpu.memory_space<hbm>>
      %dma_start3A_84 = arith.constant 0 : i32
      %dma_start3A_85 = tpu.memref_slice %dma_start3A_83[%mul3A_4, %dma_start3A_84] : memref<2560x128xi32, #tpu.memory_space<hbm>> -> memref<80x128xi32, #tpu.memory_space<hbm>>
      tpu.enqueue_dma source(%dma_start3A_85 : memref<80x128xi32, #tpu.memory_space<hbm>>) target(%arg6 : memref<80x128xi32, #tpu.memory_space<vmem>>) target_semaphore(%run_scoped3A_73 : memref<!tpu.dma_semaphore, #tpu.memory_space<semaphore_mem>>)
      %dma_wait3A_86 = arith.constant 0 : i32
      %dma_wait3A_87 = arith.constant 0 : i32
      %dma_wait3A_88 = tpu.memref_slice %arg2[%run_scoped3A, %dma_wait3A_86, %dma_wait3A_87] : memref<2x2560x128xi32, #tpu.memory_space<hbm>> -> memref<1x2560x128xi32, #tpu.memory_space<hbm>>
      %dma_wait3A_89 = tpu.memref_squeeze %dma_wait3A_88 : memref<1x2560x128xi32, #tpu.memory_space<hbm>> -> memref<2560x128xi32, #tpu.memory_space<hbm>>
      %dma_wait3A_90 = arith.constant 0 : i32
      %dma_wait3A_91 = tpu.memref_slice %dma_wait3A_89[%mul3A_4, %dma_wait3A_90] : memref<2560x128xi32, #tpu.memory_space<hbm>> -> memref<80x128xi32, #tpu.memory_space<hbm>>
      %dma_wait3A_92 = arith.constant 0 : i32
      %dma_wait3A_93 = arith.constant 0 : i32
      %dma_wait3A_94 = tpu.memref_slice %arg2[%run_scoped3A, %dma_wait3A_92, %dma_wait3A_93] : memref<2x2560x128xi32, #tpu.memory_space<hbm>> -> memref<1x2560x128xi32, #tpu.memory_space<hbm>>
      %dma_wait3A_95 = tpu.memref_squeeze %dma_wait3A_94 : memref<1x2560x128xi32, #tpu.memory_space<hbm>> -> memref<2560x128xi32, #tpu.memory_space<hbm>>
      %dma_wait3A_96 = arith.constant 0 : i32
      %dma_wait3A_97 = tpu.memref_slice %dma_wait3A_95[%mul3A_4, %dma_wait3A_96] : memref<2560x128xi32, #tpu.memory_space<hbm>> -> memref<80x128xi32, #tpu.memory_space<hbm>>
      tpu.wait_dma2 semaphore(%run_scoped3A_73 : memref<!tpu.dma_semaphore, #tpu.memory_space<semaphore_mem>>) src(%dma_wait3A_97 : memref<80x128xi32, #tpu.memory_space<hbm>>) dst(%arg6 : memref<80x128xi32, #tpu.memory_space<vmem>>)
      tpu.yield
    }) : () -> ()
    %mul3A_5 = arith.constant 80 : i32
    %mul3A_6 = arith.muli %add3A, %mul3A_5 : i32
    %run_scoped3A_7 = arith.constant 1 : i32
    "tpu.region"() ({
      %run_scoped3A_73 = tpu.sem_alloc : memref<!tpu.dma_semaphore, #tpu.memory_space<semaphore_mem>>
      %dma_start3A_74 = arith.constant 0 : i32
      %dma_start3A_75 = arith.constant 0 : i32
      %dma_start3A_76 = tpu.memref_slice %arg2[%run_scoped3A_7, %dma_start3A_74, %dma_start3A_75] : memref<2x2560x128xi32, #tpu.memory_space<hbm>> -> memref<1x2560x128xi32, #tpu.memory_space<hbm>>
      %dma_start3A_77 = tpu.memref_squeeze %dma_start3A_76 : memref<1x2560x128xi32, #tpu.memory_space<hbm>> -> memref<2560x128xi32, #tpu.memory_space<hbm>>
      %dma_start3A_78 = arith.constant 0 : i32
      %dma_start3A_79 = tpu.memref_slice %dma_start3A_77[%mul3A_6, %dma_start3A_78] : memref<2560x128xi32, #tpu.memory_space<hbm>> -> memref<80x128xi32, #tpu.memory_space<hbm>>
      %dma_start3A_80 = arith.constant 0 : i32
      %dma_start3A_81 = arith.constant 0 : i32
      %dma_start3A_82 = tpu.memref_slice %arg2[%run_scoped3A_7, %dma_start3A_80, %dma_start3A_81] : memref<2x2560x128xi32, #tpu.memory_space<hbm>> -> memref<1x2560x128xi32, #tpu.memory_space<hbm>>
      %dma_start3A_83 = tpu.memref_squeeze %dma_start3A_82 : memref<1x2560x128xi32, #tpu.memory_space<hbm>> -> memref<2560x128xi32, #tpu.memory_space<hbm>>
      %dma_start3A_84 = arith.constant 0 : i32
      %dma_start3A_85 = tpu.memref_slice %dma_start3A_83[%mul3A_6, %dma_start3A_84] : memref<2560x128xi32, #tpu.memory_space<hbm>> -> memref<80x128xi32, #tpu.memory_space<hbm>>
      tpu.enqueue_dma source(%dma_start3A_85 : memref<80x128xi32, #tpu.memory_space<hbm>>) target(%arg7 : memref<80x128xi32, #tpu.memory_space<vmem>>) target_semaphore(%run_scoped3A_73 : memref<!tpu.dma_semaphore, #tpu.memory_space<semaphore_mem>>)
      %dma_wait3A_86 = arith.constant 0 : i32
      %dma_wait3A_87 = arith.constant 0 : i32
      %dma_wait3A_88 = tpu.memref_slice %arg2[%run_scoped3A_7, %dma_wait3A_86, %dma_wait3A_87] : memref<2x2560x128xi32, #tpu.memory_space<hbm>> -> memref<1x2560x128xi32, #tpu.memory_space<hbm>>
      %dma_wait3A_89 = tpu.memref_squeeze %dma_wait3A_88 : memref<1x2560x128xi32, #tpu.memory_space<hbm>> -> memref<2560x128xi32, #tpu.memory_space<hbm>>
      %dma_wait3A_90 = arith.constant 0 : i32
      %dma_wait3A_91 = tpu.memref_slice %dma_wait3A_89[%mul3A_6, %dma_wait3A_90] : memref<2560x128xi32, #tpu.memory_space<hbm>> -> memref<80x128xi32, #tpu.memory_space<hbm>>
      %dma_wait3A_92 = arith.constant 0 : i32
      %dma_wait3A_93 = arith.constant 0 : i32
      %dma_wait3A_94 = tpu.memref_slice %arg2[%run_scoped3A_7, %dma_wait3A_92, %dma_wait3A_93] : memref<2x2560x128xi32, #tpu.memory_space<hbm>> -> memref<1x2560x128xi32, #tpu.memory_space<hbm>>
      %dma_wait3A_95 = tpu.memref_squeeze %dma_wait3A_94 : memref<1x2560x128xi32, #tpu.memory_space<hbm>> -> memref<2560x128xi32, #tpu.memory_space<hbm>>
      %dma_wait3A_96 = arith.constant 0 : i32
      %dma_wait3A_97 = tpu.memref_slice %dma_wait3A_95[%mul3A_6, %dma_wait3A_96] : memref<2560x128xi32, #tpu.memory_space<hbm>> -> memref<80x128xi32, #tpu.memory_space<hbm>>
      tpu.wait_dma2 semaphore(%run_scoped3A_73 : memref<!tpu.dma_semaphore, #tpu.memory_space<semaphore_mem>>) src(%dma_wait3A_97 : memref<80x128xi32, #tpu.memory_space<hbm>>) dst(%arg7 : memref<80x128xi32, #tpu.memory_space<vmem>>)
      tpu.yield
    }) : () -> ()
    %barrier3A = arith.constant 0 : index
    tpu.barrier barrier_id(%barrier3A)
    %dma_start3A = arith.constant 0 : i32
    %dma_start3A_8 = arith.constant 0 : i32
    %dma_start3A_9 = tpu.memref_slice %arg6[%dma_start3A, %dma_start3A_8] : memref<80x128xi32, #tpu.memory_space<vmem>> -> memref<1x128xi32, #tpu.memory_space<vmem>>
    %dma_start3A_10 = tpu.memref_squeeze %dma_start3A_9 : memref<1x128xi32, #tpu.memory_space<vmem>> -> memref<128xi32, #tpu.memory_space<vmem>>
    %dma_start3A_11 = arith.constant 0 : i32
    %dma_start3A_12 = arith.constant 0 : i32
    %dma_start3A_13 = tpu.memref_slice %arg13[%dma_start3A_11, %dma_start3A_12] : memref<10240x16xf32, #tpu.memory_space<vmem_shared>> -> memref<10240x16xf32, #tpu.memory_space<vmem_shared>>
    tpu.enqueue_indirect_dma source(%dma_start3A_13 : memref<10240x16xf32, #tpu.memory_space<vmem_shared>>) target(%arg8 : memref<128x16xf32, #tpu.memory_space<vmem>>) offsets(%dma_start3A_10 : memref<128xi32, #tpu.memory_space<vmem>>) semaphore(%arg14 : memref<!tpu.dma_semaphore, #tpu.memory_space<semaphore_mem>>)
    %dma_start3A_14 = arith.constant 1 : i32
    %dma_start3A_15 = arith.constant 0 : i32
    %dma_start3A_16 = tpu.memref_slice %arg6[%dma_start3A_14, %dma_start3A_15] : memref<80x128xi32, #tpu.memory_space<vmem>> -> memref<1x128xi32, #tpu.memory_space<vmem>>
    %dma_start3A_17 = tpu.memref_squeeze %dma_start3A_16 : memref<1x128xi32, #tpu.memory_space<vmem>> -> memref<128xi32, #tpu.memory_space<vmem>>
    %dma_start3A_18 = arith.constant 0 : i32
    %dma_start3A_19 = arith.constant 0 : i32
    %dma_start3A_20 = tpu.memref_slice %arg13[%dma_start3A_18, %dma_start3A_19] : memref<10240x16xf32, #tpu.memory_space<vmem_shared>> -> memref<10240x16xf32, #tpu.memory_space<vmem_shared>>
    tpu.enqueue_indirect_dma source(%dma_start3A_20 : memref<10240x16xf32, #tpu.memory_space<vmem_shared>>) target(%arg9 : memref<128x16xf32, #tpu.memory_space<vmem>>) offsets(%dma_start3A_17 : memref<128xi32, #tpu.memory_space<vmem>>) semaphore(%arg15 : memref<!tpu.dma_semaphore, #tpu.memory_space<semaphore_mem>>)
    %dma_start3A_21 = arith.constant 2 : i32
    %dma_start3A_22 = arith.constant 0 : i32
    %dma_start3A_23 = tpu.memref_slice %arg6[%dma_start3A_21, %dma_start3A_22] : memref<80x128xi32, #tpu.memory_space<vmem>> -> memref<1x128xi32, #tpu.memory_space<vmem>>
    %dma_start3A_24 = tpu.memref_squeeze %dma_start3A_23 : memref<1x128xi32, #tpu.memory_space<vmem>> -> memref<128xi32, #tpu.memory_space<vmem>>
    %dma_start3A_25 = arith.constant 0 : i32
    %dma_start3A_26 = arith.constant 0 : i32
    %dma_start3A_27 = tpu.memref_slice %arg13[%dma_start3A_25, %dma_start3A_26] : memref<10240x16xf32, #tpu.memory_space<vmem_shared>> -> memref<10240x16xf32, #tpu.memory_space<vmem_shared>>
    tpu.enqueue_indirect_dma source(%dma_start3A_27 : memref<10240x16xf32, #tpu.memory_space<vmem_shared>>) target(%arg10 : memref<128x16xf32, #tpu.memory_space<vmem>>) offsets(%dma_start3A_24 : memref<128xi32, #tpu.memory_space<vmem>>) semaphore(%arg16 : memref<!tpu.dma_semaphore, #tpu.memory_space<semaphore_mem>>)
    %dma_start3A_28 = arith.constant 3 : i32
    %dma_start3A_29 = arith.constant 0 : i32
    %dma_start3A_30 = tpu.memref_slice %arg6[%dma_start3A_28, %dma_start3A_29] : memref<80x128xi32, #tpu.memory_space<vmem>> -> memref<1x128xi32, #tpu.memory_space<vmem>>
    %dma_start3A_31 = tpu.memref_squeeze %dma_start3A_30 : memref<1x128xi32, #tpu.memory_space<vmem>> -> memref<128xi32, #tpu.memory_space<vmem>>
    %dma_start3A_32 = arith.constant 0 : i32
    %dma_start3A_33 = arith.constant 0 : i32
    %dma_start3A_34 = tpu.memref_slice %arg13[%dma_start3A_32, %dma_start3A_33] : memref<10240x16xf32, #tpu.memory_space<vmem_shared>> -> memref<10240x16xf32, #tpu.memory_space<vmem_shared>>
    tpu.enqueue_indirect_dma source(%dma_start3A_34 : memref<10240x16xf32, #tpu.memory_space<vmem_shared>>) target(%arg11 : memref<128x16xf32, #tpu.memory_space<vmem>>) offsets(%dma_start3A_31 : memref<128xi32, #tpu.memory_space<vmem>>) semaphore(%arg17 : memref<!tpu.dma_semaphore, #tpu.memory_space<semaphore_mem>>)
    %scan3A = arith.constant 0 : i32
    %scan3A_35 = arith.constant 0 : i32
    %scan3A_36 = arith.constant 20 : i32
    %scan3A_37 = arith.addi %scan3A_35, %scan3A_36 : i32
    %scan3A_38 = arith.constant 1 : i32
    scf.for %scan3A_73 = %scan3A_35 to %scan3A_37 step %scan3A_38  : i32 {
      %mul3A_74 = arith.constant 4 : i32
      %mul3A_75 = arith.muli %mul3A_74, %scan3A_73 : i32
      %add3A_76 = arith.constant 0 : i32
      %add3A_77 = arith.addi %mul3A_75, %add3A_76 : i32
      %dma_wait3A_78 = arith.constant 0 : i32
      %dma_wait3A_79 = tpu.memref_slice %arg6[%add3A_77, %dma_wait3A_78] : memref<80x128xi32, #tpu.memory_space<vmem>> -> memref<1x128xi32, #tpu.memory_space<vmem>>
      %dma_wait3A_80 = tpu.memref_squeeze %dma_wait3A_79 : memref<1x128xi32, #tpu.memory_space<vmem>> -> memref<128xi32, #tpu.memory_space<vmem>>
      %dma_wait3A_81 = arith.constant 0 : i32
      %dma_wait3A_82 = arith.constant 0 : i32
      %dma_wait3A_83 = tpu.memref_slice %arg13[%dma_wait3A_81, %dma_wait3A_82] : memref<10240x16xf32, #tpu.memory_space<vmem_shared>> -> memref<10240x16xf32, #tpu.memory_space<vmem_shared>>
      tpu.wait_indirect_dma semaphore(%arg14 : memref<!tpu.dma_semaphore, #tpu.memory_space<semaphore_mem>>) src(%dma_wait3A_83 : memref<10240x16xf32, #tpu.memory_space<vmem_shared>>) dst(%arg8 : memref<128x16xf32, #tpu.memory_space<vmem>>)
      %add3A_84 = arith.constant 0 : i32
      %add3A_85 = arith.addi %mul3A_75, %add3A_84 : i32
      %dma_start3A_86 = arith.constant 0 : i32
      %dma_start3A_87 = tpu.memref_slice %arg7[%add3A_85, %dma_start3A_86] : memref<80x128xi32, #tpu.memory_space<vmem>> -> memref<1x128xi32, #tpu.memory_space<vmem>>
      %dma_start3A_88 = tpu.memref_squeeze %dma_start3A_87 : memref<1x128xi32, #tpu.memory_space<vmem>> -> memref<128xi32, #tpu.memory_space<vmem>>
      %dma_start3A_89 = arith.constant 0 : i32
      %dma_start3A_90 = arith.constant 0 : i32
      %dma_start3A_91 = tpu.memref_slice %arg12[%dma_start3A_89, %dma_start3A_90] : memref<10240x16xf32, #tpu.memory_space<vmem_shared>> -> memref<10240x16xf32, #tpu.memory_space<vmem_shared>>
      tpu.enqueue_indirect_dma source(%arg8 : memref<128x16xf32, #tpu.memory_space<vmem>>) target(%dma_start3A_91 : memref<10240x16xf32, #tpu.memory_space<vmem_shared>>) offsets(%dma_start3A_88 : memref<128xi32, #tpu.memory_space<vmem>>) semaphore(%arg18 : memref<!tpu.dma_semaphore, #tpu.memory_space<semaphore_mem>>) {add = true}
      %add3A_92 = arith.constant 1 : i32
      %add3A_93 = arith.addi %mul3A_75, %add3A_92 : i32
      %dma_wait3A_94 = arith.constant 0 : i32
      %dma_wait3A_95 = tpu.memref_slice %arg6[%add3A_93, %dma_wait3A_94] : memref<80x128xi32, #tpu.memory_space<vmem>> -> memref<1x128xi32, #tpu.memory_space<vmem>>
      %dma_wait3A_96 = tpu.memref_squeeze %dma_wait3A_95 : memref<1x128xi32, #tpu.memory_space<vmem>> -> memref<128xi32, #tpu.memory_space<vmem>>
      %dma_wait3A_97 = arith.constant 0 : i32
      %dma_wait3A_98 = arith.constant 0 : i32
      %dma_wait3A_99 = tpu.memref_slice %arg13[%dma_wait3A_97, %dma_wait3A_98] : memref<10240x16xf32, #tpu.memory_space<vmem_shared>> -> memref<10240x16xf32, #tpu.memory_space<vmem_shared>>
      tpu.wait_indirect_dma semaphore(%arg15 : memref<!tpu.dma_semaphore, #tpu.memory_space<semaphore_mem>>) src(%dma_wait3A_99 : memref<10240x16xf32, #tpu.memory_space<vmem_shared>>) dst(%arg9 : memref<128x16xf32, #tpu.memory_space<vmem>>)
      %add3A_100 = arith.constant 1 : i32
      %add3A_101 = arith.addi %mul3A_75, %add3A_100 : i32
      %dma_start3A_102 = arith.constant 0 : i32
      %dma_start3A_103 = tpu.memref_slice %arg7[%add3A_101, %dma_start3A_102] : memref<80x128xi32, #tpu.memory_space<vmem>> -> memref<1x128xi32, #tpu.memory_space<vmem>>
      %dma_start3A_104 = tpu.memref_squeeze %dma_start3A_103 : memref<1x128xi32, #tpu.memory_space<vmem>> -> memref<128xi32, #tpu.memory_space<vmem>>
      %dma_start3A_105 = arith.constant 0 : i32
      %dma_start3A_106 = arith.constant 0 : i32
      %dma_start3A_107 = tpu.memref_slice %arg12[%dma_start3A_105, %dma_start3A_106] : memref<10240x16xf32, #tpu.memory_space<vmem_shared>> -> memref<10240x16xf32, #tpu.memory_space<vmem_shared>>
      tpu.enqueue_indirect_dma source(%arg9 : memref<128x16xf32, #tpu.memory_space<vmem>>) target(%dma_start3A_107 : memref<10240x16xf32, #tpu.memory_space<vmem_shared>>) offsets(%dma_start3A_104 : memref<128xi32, #tpu.memory_space<vmem>>) semaphore(%arg19 : memref<!tpu.dma_semaphore, #tpu.memory_space<semaphore_mem>>) {add = true}
      %add3A_108 = arith.constant 2 : i32
      %add3A_109 = arith.addi %mul3A_75, %add3A_108 : i32
      %dma_wait3A_110 = arith.constant 0 : i32
      %dma_wait3A_111 = tpu.memref_slice %arg6[%add3A_109, %dma_wait3A_110] : memref<80x128xi32, #tpu.memory_space<vmem>> -> memref<1x128xi32, #tpu.memory_space<vmem>>
      %dma_wait3A_112 = tpu.memref_squeeze %dma_wait3A_111 : memref<1x128xi32, #tpu.memory_space<vmem>> -> memref<128xi32, #tpu.memory_space<vmem>>
      %dma_wait3A_113 = arith.constant 0 : i32
      %dma_wait3A_114 = arith.constant 0 : i32
      %dma_wait3A_115 = tpu.memref_slice %arg13[%dma_wait3A_113, %dma_wait3A_114] : memref<10240x16xf32, #tpu.memory_space<vmem_shared>> -> memref<10240x16xf32, #tpu.memory_space<vmem_shared>>
      tpu.wait_indirect_dma semaphore(%arg16 : memref<!tpu.dma_semaphore, #tpu.memory_space<semaphore_mem>>) src(%dma_wait3A_115 : memref<10240x16xf32, #tpu.memory_space<vmem_shared>>) dst(%arg10 : memref<128x16xf32, #tpu.memory_space<vmem>>)
      %add3A_116 = arith.constant 2 : i32
      %add3A_117 = arith.addi %mul3A_75, %add3A_116 : i32
      %dma_start3A_118 = arith.constant 0 : i32
      %dma_start3A_119 = tpu.memref_slice %arg7[%add3A_117, %dma_start3A_118] : memref<80x128xi32, #tpu.memory_space<vmem>> -> memref<1x128xi32, #tpu.memory_space<vmem>>
      %dma_start3A_120 = tpu.memref_squeeze %dma_start3A_119 : memref<1x128xi32, #tpu.memory_space<vmem>> -> memref<128xi32, #tpu.memory_space<vmem>>
      %dma_start3A_121 = arith.constant 0 : i32
      %dma_start3A_122 = arith.constant 0 : i32
      %dma_start3A_123 = tpu.memref_slice %arg12[%dma_start3A_121, %dma_start3A_122] : memref<10240x16xf32, #tpu.memory_space<vmem_shared>> -> memref<10240x16xf32, #tpu.memory_space<vmem_shared>>
      tpu.enqueue_indirect_dma source(%arg10 : memref<128x16xf32, #tpu.memory_space<vmem>>) target(%dma_start3A_123 : memref<10240x16xf32, #tpu.memory_space<vmem_shared>>) offsets(%dma_start3A_120 : memref<128xi32, #tpu.memory_space<vmem>>) semaphore(%arg20 : memref<!tpu.dma_semaphore, #tpu.memory_space<semaphore_mem>>) {add = true}
      %add3A_124 = arith.constant 3 : i32
      %add3A_125 = arith.addi %mul3A_75, %add3A_124 : i32
      %dma_wait3A_126 = arith.constant 0 : i32
      %dma_wait3A_127 = tpu.memref_slice %arg6[%add3A_125, %dma_wait3A_126] : memref<80x128xi32, #tpu.memory_space<vmem>> -> memref<1x128xi32, #tpu.memory_space<vmem>>
      %dma_wait3A_128 = tpu.memref_squeeze %dma_wait3A_127 : memref<1x128xi32, #tpu.memory_space<vmem>> -> memref<128xi32, #tpu.memory_space<vmem>>
      %dma_wait3A_129 = arith.constant 0 : i32
      %dma_wait3A_130 = arith.constant 0 : i32
      %dma_wait3A_131 = tpu.memref_slice %arg13[%dma_wait3A_129, %dma_wait3A_130] : memref<10240x16xf32, #tpu.memory_space<vmem_shared>> -> memref<10240x16xf32, #tpu.memory_space<vmem_shared>>
      tpu.wait_indirect_dma semaphore(%arg17 : memref<!tpu.dma_semaphore, #tpu.memory_space<semaphore_mem>>) src(%dma_wait3A_131 : memref<10240x16xf32, #tpu.memory_space<vmem_shared>>) dst(%arg11 : memref<128x16xf32, #tpu.memory_space<vmem>>)
      %add3A_132 = arith.constant 3 : i32
      %add3A_133 = arith.addi %mul3A_75, %add3A_132 : i32
      %dma_start3A_134 = arith.constant 0 : i32
      %dma_start3A_135 = tpu.memref_slice %arg7[%add3A_133, %dma_start3A_134] : memref<80x128xi32, #tpu.memory_space<vmem>> -> memref<1x128xi32, #tpu.memory_space<vmem>>
      %dma_start3A_136 = tpu.memref_squeeze %dma_start3A_135 : memref<1x128xi32, #tpu.memory_space<vmem>> -> memref<128xi32, #tpu.memory_space<vmem>>
      %dma_start3A_137 = arith.constant 0 : i32
      %dma_start3A_138 = arith.constant 0 : i32
      %dma_start3A_139 = tpu.memref_slice %arg12[%dma_start3A_137, %dma_start3A_138] : memref<10240x16xf32, #tpu.memory_space<vmem_shared>> -> memref<10240x16xf32, #tpu.memory_space<vmem_shared>>
      tpu.enqueue_indirect_dma source(%arg11 : memref<128x16xf32, #tpu.memory_space<vmem>>) target(%dma_start3A_139 : memref<10240x16xf32, #tpu.memory_space<vmem_shared>>) offsets(%dma_start3A_136 : memref<128xi32, #tpu.memory_space<vmem>>) semaphore(%arg21 : memref<!tpu.dma_semaphore, #tpu.memory_space<semaphore_mem>>) {add = true}
      %add3A_140 = arith.constant 0 : i32
      %add3A_141 = arith.addi %mul3A_75, %add3A_140 : i32
      %add3A_142 = arith.constant 4 : i32
      %add3A_143 = arith.addi %add3A_141, %add3A_142 : i32
      %lt3A = arith.constant 80 : i32
      %lt3A_144 = arith.cmpi slt, %add3A_143, %lt3A : i32
      %convert_element_type3A_145 = arith.extui %lt3A_144 : i1 to i32
      %cond3A_146 = arith.constant 0 : i32
      %cond3A_147 = arith.cmpi ne, %convert_element_type3A_145, %cond3A_146 : i32
      scf.if %cond3A_147 {
        %add3A_175 = arith.constant 0 : i32
        %add3A_176 = arith.addi %mul3A_75, %add3A_175 : i32
        %dma_wait3A_177 = arith.constant 0 : i32
        %dma_wait3A_178 = tpu.memref_slice %arg7[%add3A_176, %dma_wait3A_177] : memref<80x128xi32, #tpu.memory_space<vmem>> -> memref<1x128xi32, #tpu.memory_space<vmem>>
        %dma_wait3A_179 = tpu.memref_squeeze %dma_wait3A_178 : memref<1x128xi32, #tpu.memory_space<vmem>> -> memref<128xi32, #tpu.memory_space<vmem>>
        %dma_wait3A_180 = arith.constant 0 : i32
        %dma_wait3A_181 = arith.constant 0 : i32
        %dma_wait3A_182 = tpu.memref_slice %arg12[%dma_wait3A_180, %dma_wait3A_181] : memref<10240x16xf32, #tpu.memory_space<vmem_shared>> -> memref<10240x16xf32, #tpu.memory_space<vmem_shared>>
        tpu.wait_indirect_dma semaphore(%arg18 : memref<!tpu.dma_semaphore, #tpu.memory_space<semaphore_mem>>) src(%arg8 : memref<128x16xf32, #tpu.memory_space<vmem>>) dst(%dma_wait3A_182 : memref<10240x16xf32, #tpu.memory_space<vmem_shared>>)
        %add3A_183 = arith.constant 0 : i32
        %add3A_184 = arith.addi %mul3A_75, %add3A_183 : i32
        %add3A_185 = arith.constant 4 : i32
        %add3A_186 = arith.addi %add3A_184, %add3A_185 : i32
        %dma_start3A_187 = arith.constant 0 : i32
        %dma_start3A_188 = tpu.memref_slice %arg6[%add3A_186, %dma_start3A_187] : memref<80x128xi32, #tpu.memory_space<vmem>> -> memref<1x128xi32, #tpu.memory_space<vmem>>
        %dma_start3A_189 = tpu.memref_squeeze %dma_start3A_188 : memref<1x128xi32, #tpu.memory_space<vmem>> -> memref<128xi32, #tpu.memory_space<vmem>>
        %dma_start3A_190 = arith.constant 0 : i32
        %dma_start3A_191 = arith.constant 0 : i32
        %dma_start3A_192 = tpu.memref_slice %arg13[%dma_start3A_190, %dma_start3A_191] : memref<10240x16xf32, #tpu.memory_space<vmem_shared>> -> memref<10240x16xf32, #tpu.memory_space<vmem_shared>>
        tpu.enqueue_indirect_dma source(%dma_start3A_192 : memref<10240x16xf32, #tpu.memory_space<vmem_shared>>) target(%arg8 : memref<128x16xf32, #tpu.memory_space<vmem>>) offsets(%dma_start3A_189 : memref<128xi32, #tpu.memory_space<vmem>>) semaphore(%arg14 : memref<!tpu.dma_semaphore, #tpu.memory_space<semaphore_mem>>)
      } else {
      }
      %add3A_148 = arith.constant 1 : i32
      %add3A_149 = arith.addi %mul3A_75, %add3A_148 : i32
      %add3A_150 = arith.constant 4 : i32
      %add3A_151 = arith.addi %add3A_149, %add3A_150 : i32
      %lt3A_152 = arith.constant 80 : i32
      %lt3A_153 = arith.cmpi slt, %add3A_151, %lt3A_152 : i32
      %convert_element_type3A_154 = arith.extui %lt3A_153 : i1 to i32
      %cond3A_155 = arith.constant 0 : i32
      %cond3A_156 = arith.cmpi ne, %convert_element_type3A_154, %cond3A_155 : i32
      scf.if %cond3A_156 {
        %add3A_175 = arith.constant 1 : i32
        %add3A_176 = arith.addi %mul3A_75, %add3A_175 : i32
        %dma_wait3A_177 = arith.constant 0 : i32
        %dma_wait3A_178 = tpu.memref_slice %arg7[%add3A_176, %dma_wait3A_177] : memref<80x128xi32, #tpu.memory_space<vmem>> -> memref<1x128xi32, #tpu.memory_space<vmem>>
        %dma_wait3A_179 = tpu.memref_squeeze %dma_wait3A_178 : memref<1x128xi32, #tpu.memory_space<vmem>> -> memref<128xi32, #tpu.memory_space<vmem>>
        %dma_wait3A_180 = arith.constant 0 : i32
        %dma_wait3A_181 = arith.constant 0 : i32
        %dma_wait3A_182 = tpu.memref_slice %arg12[%dma_wait3A_180, %dma_wait3A_181] : memref<10240x16xf32, #tpu.memory_space<vmem_shared>> -> memref<10240x16xf32, #tpu.memory_space<vmem_shared>>
        tpu.wait_indirect_dma semaphore(%arg19 : memref<!tpu.dma_semaphore, #tpu.memory_space<semaphore_mem>>) src(%arg9 : memref<128x16xf32, #tpu.memory_space<vmem>>) dst(%dma_wait3A_182 : memref<10240x16xf32, #tpu.memory_space<vmem_shared>>)
        %add3A_183 = arith.constant 1 : i32
        %add3A_184 = arith.addi %mul3A_75, %add3A_183 : i32
        %add3A_185 = arith.constant 4 : i32
        %add3A_186 = arith.addi %add3A_184, %add3A_185 : i32
        %dma_start3A_187 = arith.constant 0 : i32
        %dma_start3A_188 = tpu.memref_slice %arg6[%add3A_186, %dma_start3A_187] : memref<80x128xi32, #tpu.memory_space<vmem>> -> memref<1x128xi32, #tpu.memory_space<vmem>>
        %dma_start3A_189 = tpu.memref_squeeze %dma_start3A_188 : memref<1x128xi32, #tpu.memory_space<vmem>> -> memref<128xi32, #tpu.memory_space<vmem>>
        %dma_start3A_190 = arith.constant 0 : i32
        %dma_start3A_191 = arith.constant 0 : i32
        %dma_start3A_192 = tpu.memref_slice %arg13[%dma_start3A_190, %dma_start3A_191] : memref<10240x16xf32, #tpu.memory_space<vmem_shared>> -> memref<10240x16xf32, #tpu.memory_space<vmem_shared>>
        tpu.enqueue_indirect_dma source(%dma_start3A_192 : memref<10240x16xf32, #tpu.memory_space<vmem_shared>>) target(%arg9 : memref<128x16xf32, #tpu.memory_space<vmem>>) offsets(%dma_start3A_189 : memref<128xi32, #tpu.memory_space<vmem>>) semaphore(%arg15 : memref<!tpu.dma_semaphore, #tpu.memory_space<semaphore_mem>>)
      } else {
      }
      %add3A_157 = arith.constant 2 : i32
      %add3A_158 = arith.addi %mul3A_75, %add3A_157 : i32
      %add3A_159 = arith.constant 4 : i32
      %add3A_160 = arith.addi %add3A_158, %add3A_159 : i32
      %lt3A_161 = arith.constant 80 : i32
      %lt3A_162 = arith.cmpi slt, %add3A_160, %lt3A_161 : i32
      %convert_element_type3A_163 = arith.extui %lt3A_162 : i1 to i32
      %cond3A_164 = arith.constant 0 : i32
      %cond3A_165 = arith.cmpi ne, %convert_element_type3A_163, %cond3A_164 : i32
      scf.if %cond3A_165 {
        %add3A_175 = arith.constant 2 : i32
        %add3A_176 = arith.addi %mul3A_75, %add3A_175 : i32
        %dma_wait3A_177 = arith.constant 0 : i32
        %dma_wait3A_178 = tpu.memref_slice %arg7[%add3A_176, %dma_wait3A_177] : memref<80x128xi32, #tpu.memory_space<vmem>> -> memref<1x128xi32, #tpu.memory_space<vmem>>
        %dma_wait3A_179 = tpu.memref_squeeze %dma_wait3A_178 : memref<1x128xi32, #tpu.memory_space<vmem>> -> memref<128xi32, #tpu.memory_space<vmem>>
        %dma_wait3A_180 = arith.constant 0 : i32
        %dma_wait3A_181 = arith.constant 0 : i32
        %dma_wait3A_182 = tpu.memref_slice %arg12[%dma_wait3A_180, %dma_wait3A_181] : memref<10240x16xf32, #tpu.memory_space<vmem_shared>> -> memref<10240x16xf32, #tpu.memory_space<vmem_shared>>
        tpu.wait_indirect_dma semaphore(%arg20 : memref<!tpu.dma_semaphore, #tpu.memory_space<semaphore_mem>>) src(%arg10 : memref<128x16xf32, #tpu.memory_space<vmem>>) dst(%dma_wait3A_182 : memref<10240x16xf32, #tpu.memory_space<vmem_shared>>)
        %add3A_183 = arith.constant 2 : i32
        %add3A_184 = arith.addi %mul3A_75, %add3A_183 : i32
        %add3A_185 = arith.constant 4 : i32
        %add3A_186 = arith.addi %add3A_184, %add3A_185 : i32
        %dma_start3A_187 = arith.constant 0 : i32
        %dma_start3A_188 = tpu.memref_slice %arg6[%add3A_186, %dma_start3A_187] : memref<80x128xi32, #tpu.memory_space<vmem>> -> memref<1x128xi32, #tpu.memory_space<vmem>>
        %dma_start3A_189 = tpu.memref_squeeze %dma_start3A_188 : memref<1x128xi32, #tpu.memory_space<vmem>> -> memref<128xi32, #tpu.memory_space<vmem>>
        %dma_start3A_190 = arith.constant 0 : i32
        %dma_start3A_191 = arith.constant 0 : i32
        %dma_start3A_192 = tpu.memref_slice %arg13[%dma_start3A_190, %dma_start3A_191] : memref<10240x16xf32, #tpu.memory_space<vmem_shared>> -> memref<10240x16xf32, #tpu.memory_space<vmem_shared>>
        tpu.enqueue_indirect_dma source(%dma_start3A_192 : memref<10240x16xf32, #tpu.memory_space<vmem_shared>>) target(%arg10 : memref<128x16xf32, #tpu.memory_space<vmem>>) offsets(%dma_start3A_189 : memref<128xi32, #tpu.memory_space<vmem>>) semaphore(%arg16 : memref<!tpu.dma_semaphore, #tpu.memory_space<semaphore_mem>>)
      } else {
      }
      %add3A_166 = arith.constant 3 : i32
      %add3A_167 = arith.addi %mul3A_75, %add3A_166 : i32
      %add3A_168 = arith.constant 4 : i32
      %add3A_169 = arith.addi %add3A_167, %add3A_168 : i32
      %lt3A_170 = arith.constant 80 : i32
      %lt3A_171 = arith.cmpi slt, %add3A_169, %lt3A_170 : i32
      %convert_element_type3A_172 = arith.extui %lt3A_171 : i1 to i32
      %cond3A_173 = arith.constant 0 : i32
      %cond3A_174 = arith.cmpi ne, %convert_element_type3A_172, %cond3A_173 : i32
      scf.if %cond3A_174 {
        %add3A_175 = arith.constant 3 : i32
        %add3A_176 = arith.addi %mul3A_75, %add3A_175 : i32
        %dma_wait3A_177 = arith.constant 0 : i32
        %dma_wait3A_178 = tpu.memref_slice %arg7[%add3A_176, %dma_wait3A_177] : memref<80x128xi32, #tpu.memory_space<vmem>> -> memref<1x128xi32, #tpu.memory_space<vmem>>
        %dma_wait3A_179 = tpu.memref_squeeze %dma_wait3A_178 : memref<1x128xi32, #tpu.memory_space<vmem>> -> memref<128xi32, #tpu.memory_space<vmem>>
        %dma_wait3A_180 = arith.constant 0 : i32
        %dma_wait3A_181 = arith.constant 0 : i32
        %dma_wait3A_182 = tpu.memref_slice %arg12[%dma_wait3A_180, %dma_wait3A_181] : memref<10240x16xf32, #tpu.memory_space<vmem_shared>> -> memref<10240x16xf32, #tpu.memory_space<vmem_shared>>
        tpu.wait_indirect_dma semaphore(%arg21 : memref<!tpu.dma_semaphore, #tpu.memory_space<semaphore_mem>>) src(%arg11 : memref<128x16xf32, #tpu.memory_space<vmem>>) dst(%dma_wait3A_182 : memref<10240x16xf32, #tpu.memory_space<vmem_shared>>)
        %add3A_183 = arith.constant 3 : i32
        %add3A_184 = arith.addi %mul3A_75, %add3A_183 : i32
        %add3A_185 = arith.constant 4 : i32
        %add3A_186 = arith.addi %add3A_184, %add3A_185 : i32
        %dma_start3A_187 = arith.constant 0 : i32
        %dma_start3A_188 = tpu.memref_slice %arg6[%add3A_186, %dma_start3A_187] : memref<80x128xi32, #tpu.memory_space<vmem>> -> memref<1x128xi32, #tpu.memory_space<vmem>>
        %dma_start3A_189 = tpu.memref_squeeze %dma_start3A_188 : memref<1x128xi32, #tpu.memory_space<vmem>> -> memref<128xi32, #tpu.memory_space<vmem>>
        %dma_start3A_190 = arith.constant 0 : i32
        %dma_start3A_191 = arith.constant 0 : i32
        %dma_start3A_192 = tpu.memref_slice %arg13[%dma_start3A_190, %dma_start3A_191] : memref<10240x16xf32, #tpu.memory_space<vmem_shared>> -> memref<10240x16xf32, #tpu.memory_space<vmem_shared>>
        tpu.enqueue_indirect_dma source(%dma_start3A_192 : memref<10240x16xf32, #tpu.memory_space<vmem_shared>>) target(%arg11 : memref<128x16xf32, #tpu.memory_space<vmem>>) offsets(%dma_start3A_189 : memref<128xi32, #tpu.memory_space<vmem>>) semaphore(%arg17 : memref<!tpu.dma_semaphore, #tpu.memory_space<semaphore_mem>>)
      } else {
      }
    }
    %scan3A_39 = arith.constant 20 : i32
    %dma_wait3A = arith.constant 76 : i32
    %dma_wait3A_40 = arith.constant 0 : i32
    %dma_wait3A_41 = tpu.memref_slice %arg7[%dma_wait3A, %dma_wait3A_40] : memref<80x128xi32, #tpu.memory_space<vmem>> -> memref<1x128xi32, #tpu.memory_space<vmem>>
    %dma_wait3A_42 = tpu.memref_squeeze %dma_wait3A_41 : memref<1x128xi32, #tpu.memory_space<vmem>> -> memref<128xi32, #tpu.memory_space<vmem>>
    %dma_wait3A_43 = arith.constant 0 : i32
    %dma_wait3A_44 = arith.constant 0 : i32
    %dma_wait3A_45 = tpu.memref_slice %arg12[%dma_wait3A_43, %dma_wait3A_44] : memref<10240x16xf32, #tpu.memory_space<vmem_shared>> -> memref<10240x16xf32, #tpu.memory_space<vmem_shared>>
    tpu.wait_indirect_dma semaphore(%arg18 : memref<!tpu.dma_semaphore, #tpu.memory_space<semaphore_mem>>) src(%arg8 : memref<128x16xf32, #tpu.memory_space<vmem>>) dst(%dma_wait3A_45 : memref<10240x16xf32, #tpu.memory_space<vmem_shared>>)
    %dma_wait3A_46 = arith.constant 77 : i32
    %dma_wait3A_47 = arith.constant 0 : i32
    %dma_wait3A_48 = tpu.memref_slice %arg7[%dma_wait3A_46, %dma_wait3A_47] : memref<80x128xi32, #tpu.memory_space<vmem>> -> memref<1x128xi32, #tpu.memory_space<vmem>>
    %dma_wait3A_49 = tpu.memref_squeeze %dma_wait3A_48 : memref<1x128xi32, #tpu.memory_space<vmem>> -> memref<128xi32, #tpu.memory_space<vmem>>
    %dma_wait3A_50 = arith.constant 0 : i32
    %dma_wait3A_51 = arith.constant 0 : i32
    %dma_wait3A_52 = tpu.memref_slice %arg12[%dma_wait3A_50, %dma_wait3A_51] : memref<10240x16xf32, #tpu.memory_space<vmem_shared>> -> memref<10240x16xf32, #tpu.memory_space<vmem_shared>>
    tpu.wait_indirect_dma semaphore(%arg19 : memref<!tpu.dma_semaphore, #tpu.memory_space<semaphore_mem>>) src(%arg9 : memref<128x16xf32, #tpu.memory_space<vmem>>) dst(%dma_wait3A_52 : memref<10240x16xf32, #tpu.memory_space<vmem_shared>>)
    %dma_wait3A_53 = arith.constant 78 : i32
    %dma_wait3A_54 = arith.constant 0 : i32
    %dma_wait3A_55 = tpu.memref_slice %arg7[%dma_wait3A_53, %dma_wait3A_54] : memref<80x128xi32, #tpu.memory_space<vmem>> -> memref<1x128xi32, #tpu.memory_space<vmem>>
    %dma_wait3A_56 = tpu.memref_squeeze %dma_wait3A_55 : memref<1x128xi32, #tpu.memory_space<vmem>> -> memref<128xi32, #tpu.memory_space<vmem>>
    %dma_wait3A_57 = arith.constant 0 : i32
    %dma_wait3A_58 = arith.constant 0 : i32
    %dma_wait3A_59 = tpu.memref_slice %arg12[%dma_wait3A_57, %dma_wait3A_58] : memref<10240x16xf32, #tpu.memory_space<vmem_shared>> -> memref<10240x16xf32, #tpu.memory_space<vmem_shared>>
    tpu.wait_indirect_dma semaphore(%arg20 : memref<!tpu.dma_semaphore, #tpu.memory_space<semaphore_mem>>) src(%arg10 : memref<128x16xf32, #tpu.memory_space<vmem>>) dst(%dma_wait3A_59 : memref<10240x16xf32, #tpu.memory_space<vmem_shared>>)
    %dma_wait3A_60 = arith.constant 79 : i32
    %dma_wait3A_61 = arith.constant 0 : i32
    %dma_wait3A_62 = tpu.memref_slice %arg7[%dma_wait3A_60, %dma_wait3A_61] : memref<80x128xi32, #tpu.memory_space<vmem>> -> memref<1x128xi32, #tpu.memory_space<vmem>>
    %dma_wait3A_63 = tpu.memref_squeeze %dma_wait3A_62 : memref<1x128xi32, #tpu.memory_space<vmem>> -> memref<128xi32, #tpu.memory_space<vmem>>
    %dma_wait3A_64 = arith.constant 0 : i32
    %dma_wait3A_65 = arith.constant 0 : i32
    %dma_wait3A_66 = tpu.memref_slice %arg12[%dma_wait3A_64, %dma_wait3A_65] : memref<10240x16xf32, #tpu.memory_space<vmem_shared>> -> memref<10240x16xf32, #tpu.memory_space<vmem_shared>>
    tpu.wait_indirect_dma semaphore(%arg21 : memref<!tpu.dma_semaphore, #tpu.memory_space<semaphore_mem>>) src(%arg11 : memref<128x16xf32, #tpu.memory_space<vmem>>) dst(%dma_wait3A_66 : memref<10240x16xf32, #tpu.memory_space<vmem_shared>>)
    %barrier3A_67 = arith.constant 0 : index
    tpu.barrier barrier_id(%barrier3A_67)
    %eq3A_68 = arith.constant 0 : i32
    %eq3A_69 = arith.cmpi eq, %arg1, %eq3A_68 : i32
    %convert_element_type3A_70 = arith.extui %eq3A_69 : i1 to i32
    %cond3A_71 = arith.constant 0 : i32
    %cond3A_72 = arith.cmpi ne, %convert_element_type3A_70, %cond3A_71 : i32
    scf.if %cond3A_72 {
      "tpu.region"() ({
        %run_scoped3A_73 = tpu.sem_alloc : memref<!tpu.dma_semaphore, #tpu.memory_space<semaphore_mem>>
        %dma_start3A_74 = arith.constant 0 : i32
        %dma_start3A_75 = arith.constant 0 : i32
        %dma_start3A_76 = tpu.memref_slice %arg5[%arg0, %dma_start3A_74, %dma_start3A_75] : memref<2x10240x16xf32, #tpu.memory_space<hbm>> -> memref<1x10240x16xf32, #tpu.memory_space<hbm>>
        %dma_start3A_77 = tpu.memref_squeeze %dma_start3A_76 : memref<1x10240x16xf32, #tpu.memory_space<hbm>> -> memref<10240x16xf32, #tpu.memory_space<hbm>>
        tpu.enqueue_dma source(%arg12 : memref<10240x16xf32, #tpu.memory_space<vmem_shared>>) target(%dma_start3A_77 : memref<10240x16xf32, #tpu.memory_space<hbm>>) target_semaphore(%run_scoped3A_73 : memref<!tpu.dma_semaphore, #tpu.memory_space<semaphore_mem>>)
        %dma_wait3A_78 = arith.constant 0 : i32
        %dma_wait3A_79 = arith.constant 0 : i32
        %dma_wait3A_80 = tpu.memref_slice %arg5[%arg0, %dma_wait3A_78, %dma_wait3A_79] : memref<2x10240x16xf32, #tpu.memory_space<hbm>> -> memref<1x10240x16xf32, #tpu.memory_space<hbm>>
        %dma_wait3A_81 = tpu.memref_squeeze %dma_wait3A_80 : memref<1x10240x16xf32, #tpu.memory_space<hbm>> -> memref<10240x16xf32, #tpu.memory_space<hbm>>
        tpu.wait_dma2 semaphore(%run_scoped3A_73 : memref<!tpu.dma_semaphore, #tpu.memory_space<semaphore_mem>>) src(%arg12 : memref<10240x16xf32, #tpu.memory_space<vmem_shared>>) dst(%dma_wait3A_81 : memref<10240x16xf32, #tpu.memory_space<hbm>>)
        tpu.yield
      }) : () -> ()
    } else {
    }
    return
  }
}

#map = affine_map<(d0, d1) -> (0, 0, 0)>
#map1 = affine_map<(d0, d1) -> (0)>
#map2 = affine_map<(d0, d1) -> (0, 0)>
module attributes {stable_mosaic.version = 14 : i64} {
  func.func @_sc_deg_body(%arg0: i32, %arg1: i32, %arg2: memref<2x2560x128xi32, #tpu.memory_space<hbm>>, %arg3: memref<10240xf32, #tpu.memory_space<hbm>>, %arg4: memref<128xf32, #tpu.memory_space<hbm>>, %arg5: memref<2x10240xf32, #tpu.memory_space<hbm>>, %arg6: memref<80x128xi32, #tpu.memory_space<vmem>>, %arg7: memref<128xf32, #tpu.memory_space<vmem>>, %arg8: memref<10240xf32, #tpu.memory_space<vmem_shared>>, %arg9: memref<!tpu.dma_semaphore, #tpu.memory_space<semaphore_mem>>) attributes {dimension_semantics = [#tpu.dimension_semantics<core_parallel>, #tpu.dimension_semantics<subcore_parallel>], iteration_bounds = array<i64: 2, 16>, scalar_prefetch = 0 : i64, scratch_operands = 4 : i64, tpu.core_type = #tpu.core_type<sc_vector_subcore>, window_params = [{transform_indices = #map}, {transform_indices = #map1}, {transform_indices = #map1}, {transform_indices = #map2}]} {
    %eq3A = arith.constant 0 : i32
    %eq3A_0 = arith.cmpi eq, %arg1, %eq3A : i32
    %convert_element_type3A = arith.extui %eq3A_0 : i1 to i32
    %cond3A = arith.constant 0 : i32
    %cond3A_1 = arith.cmpi ne, %convert_element_type3A, %cond3A : i32
    scf.if %cond3A_1 {
      "tpu.region"() ({
        %run_scoped3A_16 = tpu.sem_alloc : memref<!tpu.dma_semaphore, #tpu.memory_space<semaphore_mem>>
        tpu.enqueue_dma source(%arg3 : memref<10240xf32, #tpu.memory_space<hbm>>) target(%arg8 : memref<10240xf32, #tpu.memory_space<vmem_shared>>) target_semaphore(%run_scoped3A_16 : memref<!tpu.dma_semaphore, #tpu.memory_space<semaphore_mem>>)
        tpu.wait_dma2 semaphore(%run_scoped3A_16 : memref<!tpu.dma_semaphore, #tpu.memory_space<semaphore_mem>>) src(%arg3 : memref<10240xf32, #tpu.memory_space<hbm>>) dst(%arg8 : memref<10240xf32, #tpu.memory_space<vmem_shared>>)
        tpu.yield
      }) : () -> ()
    } else {
    }
    "tpu.region"() ({
      %run_scoped3A_16 = tpu.sem_alloc : memref<!tpu.dma_semaphore, #tpu.memory_space<semaphore_mem>>
      tpu.enqueue_dma source(%arg4 : memref<128xf32, #tpu.memory_space<hbm>>) target(%arg7 : memref<128xf32, #tpu.memory_space<vmem>>) target_semaphore(%run_scoped3A_16 : memref<!tpu.dma_semaphore, #tpu.memory_space<semaphore_mem>>)
      tpu.wait_dma2 semaphore(%run_scoped3A_16 : memref<!tpu.dma_semaphore, #tpu.memory_space<semaphore_mem>>) src(%arg4 : memref<128xf32, #tpu.memory_space<hbm>>) dst(%arg7 : memref<128xf32, #tpu.memory_space<vmem>>)
      tpu.yield
    }) : () -> ()
    %mul3A = arith.constant 2 : i32
    %mul3A_2 = arith.muli %arg1, %mul3A : i32
    %add3A = arith.addi %mul3A_2, %arg0 : i32
    %mul3A_3 = arith.constant 80 : i32
    %mul3A_4 = arith.muli %add3A, %mul3A_3 : i32
    %run_scoped3A = arith.constant 1 : i32
    "tpu.region"() ({
      %run_scoped3A_16 = tpu.sem_alloc : memref<!tpu.dma_semaphore, #tpu.memory_space<semaphore_mem>>
      %dma_start3A = arith.constant 0 : i32
      %dma_start3A_17 = arith.constant 0 : i32
      %dma_start3A_18 = tpu.memref_slice %arg2[%run_scoped3A, %dma_start3A, %dma_start3A_17] : memref<2x2560x128xi32, #tpu.memory_space<hbm>> -> memref<1x2560x128xi32, #tpu.memory_space<hbm>>
      %dma_start3A_19 = tpu.memref_squeeze %dma_start3A_18 : memref<1x2560x128xi32, #tpu.memory_space<hbm>> -> memref<2560x128xi32, #tpu.memory_space<hbm>>
      %dma_start3A_20 = arith.constant 0 : i32
      %dma_start3A_21 = tpu.memref_slice %dma_start3A_19[%mul3A_4, %dma_start3A_20] : memref<2560x128xi32, #tpu.memory_space<hbm>> -> memref<80x128xi32, #tpu.memory_space<hbm>>
      %dma_start3A_22 = arith.constant 0 : i32
      %dma_start3A_23 = arith.constant 0 : i32
      %dma_start3A_24 = tpu.memref_slice %arg2[%run_scoped3A, %dma_start3A_22, %dma_start3A_23] : memref<2x2560x128xi32, #tpu.memory_space<hbm>> -> memref<1x2560x128xi32, #tpu.memory_space<hbm>>
      %dma_start3A_25 = tpu.memref_squeeze %dma_start3A_24 : memref<1x2560x128xi32, #tpu.memory_space<hbm>> -> memref<2560x128xi32, #tpu.memory_space<hbm>>
      %dma_start3A_26 = arith.constant 0 : i32
      %dma_start3A_27 = tpu.memref_slice %dma_start3A_25[%mul3A_4, %dma_start3A_26] : memref<2560x128xi32, #tpu.memory_space<hbm>> -> memref<80x128xi32, #tpu.memory_space<hbm>>
      tpu.enqueue_dma source(%dma_start3A_27 : memref<80x128xi32, #tpu.memory_space<hbm>>) target(%arg6 : memref<80x128xi32, #tpu.memory_space<vmem>>) target_semaphore(%run_scoped3A_16 : memref<!tpu.dma_semaphore, #tpu.memory_space<semaphore_mem>>)
      %dma_wait3A = arith.constant 0 : i32
      %dma_wait3A_28 = arith.constant 0 : i32
      %dma_wait3A_29 = tpu.memref_slice %arg2[%run_scoped3A, %dma_wait3A, %dma_wait3A_28] : memref<2x2560x128xi32, #tpu.memory_space<hbm>> -> memref<1x2560x128xi32, #tpu.memory_space<hbm>>
      %dma_wait3A_30 = tpu.memref_squeeze %dma_wait3A_29 : memref<1x2560x128xi32, #tpu.memory_space<hbm>> -> memref<2560x128xi32, #tpu.memory_space<hbm>>
      %dma_wait3A_31 = arith.constant 0 : i32
      %dma_wait3A_32 = tpu.memref_slice %dma_wait3A_30[%mul3A_4, %dma_wait3A_31] : memref<2560x128xi32, #tpu.memory_space<hbm>> -> memref<80x128xi32, #tpu.memory_space<hbm>>
      %dma_wait3A_33 = arith.constant 0 : i32
      %dma_wait3A_34 = arith.constant 0 : i32
      %dma_wait3A_35 = tpu.memref_slice %arg2[%run_scoped3A, %dma_wait3A_33, %dma_wait3A_34] : memref<2x2560x128xi32, #tpu.memory_space<hbm>> -> memref<1x2560x128xi32, #tpu.memory_space<hbm>>
      %dma_wait3A_36 = tpu.memref_squeeze %dma_wait3A_35 : memref<1x2560x128xi32, #tpu.memory_space<hbm>> -> memref<2560x128xi32, #tpu.memory_space<hbm>>
      %dma_wait3A_37 = arith.constant 0 : i32
      %dma_wait3A_38 = tpu.memref_slice %dma_wait3A_36[%mul3A_4, %dma_wait3A_37] : memref<2560x128xi32, #tpu.memory_space<hbm>> -> memref<80x128xi32, #tpu.memory_space<hbm>>
      tpu.wait_dma2 semaphore(%run_scoped3A_16 : memref<!tpu.dma_semaphore, #tpu.memory_space<semaphore_mem>>) src(%dma_wait3A_38 : memref<80x128xi32, #tpu.memory_space<hbm>>) dst(%arg6 : memref<80x128xi32, #tpu.memory_space<vmem>>)
      tpu.yield
    }) : () -> ()
    %barrier3A = arith.constant 0 : index
    tpu.barrier barrier_id(%barrier3A)
    %scan3A = arith.constant 0 : i32
    %scan3A_5 = arith.constant 0 : i32
    %scan3A_6 = arith.constant 20 : i32
    %scan3A_7 = arith.addi %scan3A_5, %scan3A_6 : i32
    %scan3A_8 = arith.constant 1 : i32
    scf.for %scan3A_16 = %scan3A_5 to %scan3A_7 step %scan3A_8  : i32 {
      %mul3A_17 = arith.constant 4 : i32
      %mul3A_18 = arith.muli %mul3A_17, %scan3A_16 : i32
      %add3A_19 = arith.constant 0 : i32
      %add3A_20 = arith.addi %mul3A_18, %add3A_19 : i32
      %dma_start3A = arith.constant 0 : i32
      %dma_start3A_21 = tpu.memref_slice %arg6[%add3A_20, %dma_start3A] : memref<80x128xi32, #tpu.memory_space<vmem>> -> memref<1x128xi32, #tpu.memory_space<vmem>>
      %dma_start3A_22 = tpu.memref_squeeze %dma_start3A_21 : memref<1x128xi32, #tpu.memory_space<vmem>> -> memref<128xi32, #tpu.memory_space<vmem>>
      %dma_start3A_23 = arith.constant 0 : i32
      %dma_start3A_24 = tpu.memref_slice %arg8[%dma_start3A_23] : memref<10240xf32, #tpu.memory_space<vmem_shared>> -> memref<10240xf32, #tpu.memory_space<vmem_shared>>
      tpu.enqueue_indirect_dma source(%arg7 : memref<128xf32, #tpu.memory_space<vmem>>) target(%dma_start3A_24 : memref<10240xf32, #tpu.memory_space<vmem_shared>>) offsets(%dma_start3A_22 : memref<128xi32, #tpu.memory_space<vmem>>) semaphore(%arg9 : memref<!tpu.dma_semaphore, #tpu.memory_space<semaphore_mem>>) {add = true}
      %mul3A_25 = arith.constant 4 : i32
      %mul3A_26 = arith.muli %mul3A_25, %scan3A_16 : i32
      %add3A_27 = arith.constant 1 : i32
      %add3A_28 = arith.addi %mul3A_26, %add3A_27 : i32
      %dma_start3A_29 = arith.constant 0 : i32
      %dma_start3A_30 = tpu.memref_slice %arg6[%add3A_28, %dma_start3A_29] : memref<80x128xi32, #tpu.memory_space<vmem>> -> memref<1x128xi32, #tpu.memory_space<vmem>>
      %dma_start3A_31 = tpu.memref_squeeze %dma_start3A_30 : memref<1x128xi32, #tpu.memory_space<vmem>> -> memref<128xi32, #tpu.memory_space<vmem>>
      %dma_start3A_32 = arith.constant 0 : i32
      %dma_start3A_33 = tpu.memref_slice %arg8[%dma_start3A_32] : memref<10240xf32, #tpu.memory_space<vmem_shared>> -> memref<10240xf32, #tpu.memory_space<vmem_shared>>
      tpu.enqueue_indirect_dma source(%arg7 : memref<128xf32, #tpu.memory_space<vmem>>) target(%dma_start3A_33 : memref<10240xf32, #tpu.memory_space<vmem_shared>>) offsets(%dma_start3A_31 : memref<128xi32, #tpu.memory_space<vmem>>) semaphore(%arg9 : memref<!tpu.dma_semaphore, #tpu.memory_space<semaphore_mem>>) {add = true}
      %mul3A_34 = arith.constant 4 : i32
      %mul3A_35 = arith.muli %mul3A_34, %scan3A_16 : i32
      %add3A_36 = arith.constant 2 : i32
      %add3A_37 = arith.addi %mul3A_35, %add3A_36 : i32
      %dma_start3A_38 = arith.constant 0 : i32
      %dma_start3A_39 = tpu.memref_slice %arg6[%add3A_37, %dma_start3A_38] : memref<80x128xi32, #tpu.memory_space<vmem>> -> memref<1x128xi32, #tpu.memory_space<vmem>>
      %dma_start3A_40 = tpu.memref_squeeze %dma_start3A_39 : memref<1x128xi32, #tpu.memory_space<vmem>> -> memref<128xi32, #tpu.memory_space<vmem>>
      %dma_start3A_41 = arith.constant 0 : i32
      %dma_start3A_42 = tpu.memref_slice %arg8[%dma_start3A_41] : memref<10240xf32, #tpu.memory_space<vmem_shared>> -> memref<10240xf32, #tpu.memory_space<vmem_shared>>
      tpu.enqueue_indirect_dma source(%arg7 : memref<128xf32, #tpu.memory_space<vmem>>) target(%dma_start3A_42 : memref<10240xf32, #tpu.memory_space<vmem_shared>>) offsets(%dma_start3A_40 : memref<128xi32, #tpu.memory_space<vmem>>) semaphore(%arg9 : memref<!tpu.dma_semaphore, #tpu.memory_space<semaphore_mem>>) {add = true}
      %mul3A_43 = arith.constant 4 : i32
      %mul3A_44 = arith.muli %mul3A_43, %scan3A_16 : i32
      %add3A_45 = arith.constant 3 : i32
      %add3A_46 = arith.addi %mul3A_44, %add3A_45 : i32
      %dma_start3A_47 = arith.constant 0 : i32
      %dma_start3A_48 = tpu.memref_slice %arg6[%add3A_46, %dma_start3A_47] : memref<80x128xi32, #tpu.memory_space<vmem>> -> memref<1x128xi32, #tpu.memory_space<vmem>>
      %dma_start3A_49 = tpu.memref_squeeze %dma_start3A_48 : memref<1x128xi32, #tpu.memory_space<vmem>> -> memref<128xi32, #tpu.memory_space<vmem>>
      %dma_start3A_50 = arith.constant 0 : i32
      %dma_start3A_51 = tpu.memref_slice %arg8[%dma_start3A_50] : memref<10240xf32, #tpu.memory_space<vmem_shared>> -> memref<10240xf32, #tpu.memory_space<vmem_shared>>
      tpu.enqueue_indirect_dma source(%arg7 : memref<128xf32, #tpu.memory_space<vmem>>) target(%dma_start3A_51 : memref<10240xf32, #tpu.memory_space<vmem_shared>>) offsets(%dma_start3A_49 : memref<128xi32, #tpu.memory_space<vmem>>) semaphore(%arg9 : memref<!tpu.dma_semaphore, #tpu.memory_space<semaphore_mem>>) {add = true}
      %dma_wait3A = arith.constant 0 : i32
      %dma_wait3A_52 = tpu.memref_slice %arg6[%add3A_20, %dma_wait3A] : memref<80x128xi32, #tpu.memory_space<vmem>> -> memref<1x128xi32, #tpu.memory_space<vmem>>
      %dma_wait3A_53 = tpu.memref_squeeze %dma_wait3A_52 : memref<1x128xi32, #tpu.memory_space<vmem>> -> memref<128xi32, #tpu.memory_space<vmem>>
      %dma_wait3A_54 = arith.constant 0 : i32
      %dma_wait3A_55 = tpu.memref_slice %arg8[%dma_wait3A_54] : memref<10240xf32, #tpu.memory_space<vmem_shared>> -> memref<10240xf32, #tpu.memory_space<vmem_shared>>
      tpu.wait_indirect_dma semaphore(%arg9 : memref<!tpu.dma_semaphore, #tpu.memory_space<semaphore_mem>>) src(%arg7 : memref<128xf32, #tpu.memory_space<vmem>>) dst(%dma_wait3A_55 : memref<10240xf32, #tpu.memory_space<vmem_shared>>)
      %dma_wait3A_56 = arith.constant 0 : i32
      %dma_wait3A_57 = tpu.memref_slice %arg6[%add3A_28, %dma_wait3A_56] : memref<80x128xi32, #tpu.memory_space<vmem>> -> memref<1x128xi32, #tpu.memory_space<vmem>>
      %dma_wait3A_58 = tpu.memref_squeeze %dma_wait3A_57 : memref<1x128xi32, #tpu.memory_space<vmem>> -> memref<128xi32, #tpu.memory_space<vmem>>
      %dma_wait3A_59 = arith.constant 0 : i32
      %dma_wait3A_60 = tpu.memref_slice %arg8[%dma_wait3A_59] : memref<10240xf32, #tpu.memory_space<vmem_shared>> -> memref<10240xf32, #tpu.memory_space<vmem_shared>>
      tpu.wait_indirect_dma semaphore(%arg9 : memref<!tpu.dma_semaphore, #tpu.memory_space<semaphore_mem>>) src(%arg7 : memref<128xf32, #tpu.memory_space<vmem>>) dst(%dma_wait3A_60 : memref<10240xf32, #tpu.memory_space<vmem_shared>>)
      %dma_wait3A_61 = arith.constant 0 : i32
      %dma_wait3A_62 = tpu.memref_slice %arg6[%add3A_37, %dma_wait3A_61] : memref<80x128xi32, #tpu.memory_space<vmem>> -> memref<1x128xi32, #tpu.memory_space<vmem>>
      %dma_wait3A_63 = tpu.memref_squeeze %dma_wait3A_62 : memref<1x128xi32, #tpu.memory_space<vmem>> -> memref<128xi32, #tpu.memory_space<vmem>>
      %dma_wait3A_64 = arith.constant 0 : i32
      %dma_wait3A_65 = tpu.memref_slice %arg8[%dma_wait3A_64] : memref<10240xf32, #tpu.memory_space<vmem_shared>> -> memref<10240xf32, #tpu.memory_space<vmem_shared>>
      tpu.wait_indirect_dma semaphore(%arg9 : memref<!tpu.dma_semaphore, #tpu.memory_space<semaphore_mem>>) src(%arg7 : memref<128xf32, #tpu.memory_space<vmem>>) dst(%dma_wait3A_65 : memref<10240xf32, #tpu.memory_space<vmem_shared>>)
      %dma_wait3A_66 = arith.constant 0 : i32
      %dma_wait3A_67 = tpu.memref_slice %arg6[%add3A_46, %dma_wait3A_66] : memref<80x128xi32, #tpu.memory_space<vmem>> -> memref<1x128xi32, #tpu.memory_space<vmem>>
      %dma_wait3A_68 = tpu.memref_squeeze %dma_wait3A_67 : memref<1x128xi32, #tpu.memory_space<vmem>> -> memref<128xi32, #tpu.memory_space<vmem>>
      %dma_wait3A_69 = arith.constant 0 : i32
      %dma_wait3A_70 = tpu.memref_slice %arg8[%dma_wait3A_69] : memref<10240xf32, #tpu.memory_space<vmem_shared>> -> memref<10240xf32, #tpu.memory_space<vmem_shared>>
      tpu.wait_indirect_dma semaphore(%arg9 : memref<!tpu.dma_semaphore, #tpu.memory_space<semaphore_mem>>) src(%arg7 : memref<128xf32, #tpu.memory_space<vmem>>) dst(%dma_wait3A_70 : memref<10240xf32, #tpu.memory_space<vmem_shared>>)
    }
    %scan3A_9 = arith.constant 20 : i32
    %barrier3A_10 = arith.constant 0 : index
    tpu.barrier barrier_id(%barrier3A_10)
    %eq3A_11 = arith.constant 0 : i32
    %eq3A_12 = arith.cmpi eq, %arg1, %eq3A_11 : i32
    %convert_element_type3A_13 = arith.extui %eq3A_12 : i1 to i32
    %cond3A_14 = arith.constant 0 : i32
    %cond3A_15 = arith.cmpi ne, %convert_element_type3A_13, %cond3A_14 : i32
    scf.if %cond3A_15 {
      "tpu.region"() ({
        %run_scoped3A_16 = tpu.sem_alloc : memref<!tpu.dma_semaphore, #tpu.memory_space<semaphore_mem>>
        %dma_start3A = arith.constant 0 : i32
        %dma_start3A_17 = tpu.memref_slice %arg5[%arg0, %dma_start3A] : memref<2x10240xf32, #tpu.memory_space<hbm>> -> memref<1x10240xf32, #tpu.memory_space<hbm>>
        %dma_start3A_18 = tpu.memref_squeeze %dma_start3A_17 : memref<1x10240xf32, #tpu.memory_space<hbm>> -> memref<10240xf32, #tpu.memory_space<hbm>>
        tpu.enqueue_dma source(%arg8 : memref<10240xf32, #tpu.memory_space<vmem_shared>>) target(%dma_start3A_18 : memref<10240xf32, #tpu.memory_space<hbm>>) target_semaphore(%run_scoped3A_16 : memref<!tpu.dma_semaphore, #tpu.memory_space<semaphore_mem>>)
        %dma_wait3A = arith.constant 0 : i32
        %dma_wait3A_19 = tpu.memref_slice %arg5[%arg0, %dma_wait3A] : memref<2x10240xf32, #tpu.memory_space<hbm>> -> memref<1x10240xf32, #tpu.memory_space<hbm>>
        %dma_wait3A_20 = tpu.memref_squeeze %dma_wait3A_19 : memref<1x10240xf32, #tpu.memory_space<hbm>> -> memref<10240xf32, #tpu.memory_space<hbm>>
        tpu.wait_dma2 semaphore(%run_scoped3A_16 : memref<!tpu.dma_semaphore, #tpu.memory_space<semaphore_mem>>) src(%arg8 : memref<10240xf32, #tpu.memory_space<vmem_shared>>) dst(%dma_wait3A_20 : memref<10240xf32, #tpu.memory_space<hbm>>)
        tpu.yield
      }) : () -> ()
    } else {
    }
    return
  }
}

#map = affine_map<(d0, d1) -> (0, 0)>
#map1 = affine_map<(d0, d1) -> (0, 0, 0)>
module attributes {stable_mosaic.version = 14 : i64} {
  func.func @_sc_pool_body(%arg0: i32, %arg1: i32, %arg2: memref<10240x16xf32, #tpu.memory_space<hbm>>, %arg3: memref<32x320xi32, #tpu.memory_space<hbm>>, %arg4: memref<320x16xf32, #tpu.memory_space<hbm>>, %arg5: memref<128x16xf32, #tpu.memory_space<hbm>>, %arg6: memref<2x128x16xf32, #tpu.memory_space<hbm>>, %arg7: memref<2x128x16xf32, #tpu.memory_space<hbm>>, %arg8: memref<320xi32, #tpu.memory_space<vmem>>, %arg9: memref<320x16xf32, #tpu.memory_space<vmem>>, %arg10: memref<320x16xf32, #tpu.memory_space<vmem>>, %arg11: memref<128x16xf32, #tpu.memory_space<vmem_shared>>, %arg12: memref<128x16xf32, #tpu.memory_space<vmem_shared>>, %arg13: memref<!tpu.dma_semaphore, #tpu.memory_space<semaphore_mem>>) attributes {dimension_semantics = [#tpu.dimension_semantics<core_parallel>, #tpu.dimension_semantics<subcore_parallel>], iteration_bounds = array<i64: 2, 16>, scalar_prefetch = 0 : i64, scratch_operands = 6 : i64, tpu.core_type = #tpu.core_type<sc_vector_subcore>, window_params = [{transform_indices = #map}, {transform_indices = #map}, {transform_indices = #map}, {transform_indices = #map}, {transform_indices = #map1}, {transform_indices = #map1}]} {
    %eq3A = arith.constant 0 : i32
    %eq3A_0 = arith.cmpi eq, %arg1, %eq3A : i32
    %convert_element_type3A = arith.extui %eq3A_0 : i1 to i32
    %cond3A = arith.constant 0 : i32
    %cond3A_1 = arith.cmpi ne, %convert_element_type3A, %cond3A : i32
    scf.if %cond3A_1 {
      "tpu.region"() ({
        %run_scoped3A = tpu.sem_alloc : memref<!tpu.dma_semaphore, #tpu.memory_space<semaphore_mem>>
        tpu.enqueue_dma source(%arg5 : memref<128x16xf32, #tpu.memory_space<hbm>>) target(%arg11 : memref<128x16xf32, #tpu.memory_space<vmem_shared>>) target_semaphore(%run_scoped3A : memref<!tpu.dma_semaphore, #tpu.memory_space<semaphore_mem>>)
        tpu.wait_dma2 semaphore(%run_scoped3A : memref<!tpu.dma_semaphore, #tpu.memory_space<semaphore_mem>>) src(%arg5 : memref<128x16xf32, #tpu.memory_space<hbm>>) dst(%arg11 : memref<128x16xf32, #tpu.memory_space<vmem_shared>>)
        tpu.yield
      }) : () -> ()
      "tpu.region"() ({
        %run_scoped3A = tpu.sem_alloc : memref<!tpu.dma_semaphore, #tpu.memory_space<semaphore_mem>>
        tpu.enqueue_dma source(%arg5 : memref<128x16xf32, #tpu.memory_space<hbm>>) target(%arg12 : memref<128x16xf32, #tpu.memory_space<vmem_shared>>) target_semaphore(%run_scoped3A : memref<!tpu.dma_semaphore, #tpu.memory_space<semaphore_mem>>)
        tpu.wait_dma2 semaphore(%run_scoped3A : memref<!tpu.dma_semaphore, #tpu.memory_space<semaphore_mem>>) src(%arg5 : memref<128x16xf32, #tpu.memory_space<hbm>>) dst(%arg12 : memref<128x16xf32, #tpu.memory_space<vmem_shared>>)
        tpu.yield
      }) : () -> ()
    } else {
    }
    %mul3A = arith.constant 2 : i32
    %mul3A_2 = arith.muli %arg1, %mul3A : i32
    %add3A = arith.addi %mul3A_2, %arg0 : i32
    "tpu.region"() ({
      %run_scoped3A = tpu.sem_alloc : memref<!tpu.dma_semaphore, #tpu.memory_space<semaphore_mem>>
      %dma_start3A_21 = arith.constant 0 : i32
      %dma_start3A_22 = tpu.memref_slice %arg3[%add3A, %dma_start3A_21] : memref<32x320xi32, #tpu.memory_space<hbm>> -> memref<1x320xi32, #tpu.memory_space<hbm>>
      %dma_start3A_23 = tpu.memref_squeeze %dma_start3A_22 : memref<1x320xi32, #tpu.memory_space<hbm>> -> memref<320xi32, #tpu.memory_space<hbm>>
      %dma_start3A_24 = arith.constant 0 : i32
      %dma_start3A_25 = tpu.memref_slice %arg3[%add3A, %dma_start3A_24] : memref<32x320xi32, #tpu.memory_space<hbm>> -> memref<1x320xi32, #tpu.memory_space<hbm>>
      %dma_start3A_26 = tpu.memref_squeeze %dma_start3A_25 : memref<1x320xi32, #tpu.memory_space<hbm>> -> memref<320xi32, #tpu.memory_space<hbm>>
      tpu.enqueue_dma source(%dma_start3A_26 : memref<320xi32, #tpu.memory_space<hbm>>) target(%arg8 : memref<320xi32, #tpu.memory_space<vmem>>) target_semaphore(%run_scoped3A : memref<!tpu.dma_semaphore, #tpu.memory_space<semaphore_mem>>)
      %dma_wait3A_27 = arith.constant 0 : i32
      %dma_wait3A_28 = tpu.memref_slice %arg3[%add3A, %dma_wait3A_27] : memref<32x320xi32, #tpu.memory_space<hbm>> -> memref<1x320xi32, #tpu.memory_space<hbm>>
      %dma_wait3A_29 = tpu.memref_squeeze %dma_wait3A_28 : memref<1x320xi32, #tpu.memory_space<hbm>> -> memref<320xi32, #tpu.memory_space<hbm>>
      %dma_wait3A_30 = arith.constant 0 : i32
      %dma_wait3A_31 = tpu.memref_slice %arg3[%add3A, %dma_wait3A_30] : memref<32x320xi32, #tpu.memory_space<hbm>> -> memref<1x320xi32, #tpu.memory_space<hbm>>
      %dma_wait3A_32 = tpu.memref_squeeze %dma_wait3A_31 : memref<1x320xi32, #tpu.memory_space<hbm>> -> memref<320xi32, #tpu.memory_space<hbm>>
      tpu.wait_dma2 semaphore(%run_scoped3A : memref<!tpu.dma_semaphore, #tpu.memory_space<semaphore_mem>>) src(%dma_wait3A_32 : memref<320xi32, #tpu.memory_space<hbm>>) dst(%arg8 : memref<320xi32, #tpu.memory_space<vmem>>)
      tpu.yield
    }) : () -> ()
    %mul3A_3 = arith.constant 320 : i32
    %mul3A_4 = arith.muli %add3A, %mul3A_3 : i32
    "tpu.region"() ({
      %run_scoped3A = tpu.sem_alloc : memref<!tpu.dma_semaphore, #tpu.memory_space<semaphore_mem>>
      %dma_start3A_21 = arith.constant 0 : i32
      %dma_start3A_22 = tpu.memref_slice %arg2[%mul3A_4, %dma_start3A_21] : memref<10240x16xf32, #tpu.memory_space<hbm>> -> memref<320x16xf32, #tpu.memory_space<hbm>>
      %dma_start3A_23 = arith.constant 0 : i32
      %dma_start3A_24 = tpu.memref_slice %arg2[%mul3A_4, %dma_start3A_23] : memref<10240x16xf32, #tpu.memory_space<hbm>> -> memref<320x16xf32, #tpu.memory_space<hbm>>
      tpu.enqueue_dma source(%dma_start3A_24 : memref<320x16xf32, #tpu.memory_space<hbm>>) target(%arg9 : memref<320x16xf32, #tpu.memory_space<vmem>>) target_semaphore(%run_scoped3A : memref<!tpu.dma_semaphore, #tpu.memory_space<semaphore_mem>>)
      %dma_wait3A_25 = arith.constant 0 : i32
      %dma_wait3A_26 = tpu.memref_slice %arg2[%mul3A_4, %dma_wait3A_25] : memref<10240x16xf32, #tpu.memory_space<hbm>> -> memref<320x16xf32, #tpu.memory_space<hbm>>
      %dma_wait3A_27 = arith.constant 0 : i32
      %dma_wait3A_28 = tpu.memref_slice %arg2[%mul3A_4, %dma_wait3A_27] : memref<10240x16xf32, #tpu.memory_space<hbm>> -> memref<320x16xf32, #tpu.memory_space<hbm>>
      tpu.wait_dma2 semaphore(%run_scoped3A : memref<!tpu.dma_semaphore, #tpu.memory_space<semaphore_mem>>) src(%dma_wait3A_28 : memref<320x16xf32, #tpu.memory_space<hbm>>) dst(%arg9 : memref<320x16xf32, #tpu.memory_space<vmem>>)
      tpu.yield
    }) : () -> ()
    "tpu.region"() ({
      %run_scoped3A = tpu.sem_alloc : memref<!tpu.dma_semaphore, #tpu.memory_space<semaphore_mem>>
      tpu.enqueue_dma source(%arg4 : memref<320x16xf32, #tpu.memory_space<hbm>>) target(%arg10 : memref<320x16xf32, #tpu.memory_space<vmem>>) target_semaphore(%run_scoped3A : memref<!tpu.dma_semaphore, #tpu.memory_space<semaphore_mem>>)
      tpu.wait_dma2 semaphore(%run_scoped3A : memref<!tpu.dma_semaphore, #tpu.memory_space<semaphore_mem>>) src(%arg4 : memref<320x16xf32, #tpu.memory_space<hbm>>) dst(%arg10 : memref<320x16xf32, #tpu.memory_space<vmem>>)
      tpu.yield
    }) : () -> ()
    %barrier3A = arith.constant 0 : index
    tpu.barrier barrier_id(%barrier3A)
    %dma_start3A = arith.constant 0 : i32
    %dma_start3A_5 = arith.constant 0 : i32
    %dma_start3A_6 = tpu.memref_slice %arg11[%dma_start3A, %dma_start3A_5] : memref<128x16xf32, #tpu.memory_space<vmem_shared>> -> memref<128x16xf32, #tpu.memory_space<vmem_shared>>
    tpu.enqueue_indirect_dma source(%arg9 : memref<320x16xf32, #tpu.memory_space<vmem>>) target(%dma_start3A_6 : memref<128x16xf32, #tpu.memory_space<vmem_shared>>) offsets(%arg8 : memref<320xi32, #tpu.memory_space<vmem>>) semaphore(%arg13 : memref<!tpu.dma_semaphore, #tpu.memory_space<semaphore_mem>>) {add = true}
    %dma_start3A_7 = arith.constant 0 : i32
    %dma_start3A_8 = arith.constant 0 : i32
    %dma_start3A_9 = tpu.memref_slice %arg12[%dma_start3A_7, %dma_start3A_8] : memref<128x16xf32, #tpu.memory_space<vmem_shared>> -> memref<128x16xf32, #tpu.memory_space<vmem_shared>>
    tpu.enqueue_indirect_dma source(%arg10 : memref<320x16xf32, #tpu.memory_space<vmem>>) target(%dma_start3A_9 : memref<128x16xf32, #tpu.memory_space<vmem_shared>>) offsets(%arg8 : memref<320xi32, #tpu.memory_space<vmem>>) semaphore(%arg13 : memref<!tpu.dma_semaphore, #tpu.memory_space<semaphore_mem>>) {add = true}
    %dma_wait3A = arith.constant 0 : i32
    %dma_wait3A_10 = arith.constant 0 : i32
    %dma_wait3A_11 = tpu.memref_slice %arg11[%dma_wait3A, %dma_wait3A_10] : memref<128x16xf32, #tpu.memory_space<vmem_shared>> -> memref<128x16xf32, #tpu.memory_space<vmem_shared>>
    tpu.wait_indirect_dma semaphore(%arg13 : memref<!tpu.dma_semaphore, #tpu.memory_space<semaphore_mem>>) src(%arg9 : memref<320x16xf32, #tpu.memory_space<vmem>>) dst(%dma_wait3A_11 : memref<128x16xf32, #tpu.memory_space<vmem_shared>>)
    %dma_wait3A_12 = arith.constant 0 : i32
    %dma_wait3A_13 = arith.constant 0 : i32
    %dma_wait3A_14 = tpu.memref_slice %arg12[%dma_wait3A_12, %dma_wait3A_13] : memref<128x16xf32, #tpu.memory_space<vmem_shared>> -> memref<128x16xf32, #tpu.memory_space<vmem_shared>>
    tpu.wait_indirect_dma semaphore(%arg13 : memref<!tpu.dma_semaphore, #tpu.memory_space<semaphore_mem>>) src(%arg10 : memref<320x16xf32, #tpu.memory_space<vmem>>) dst(%dma_wait3A_14 : memref<128x16xf32, #tpu.memory_space<vmem_shared>>)
    %barrier3A_15 = arith.constant 0 : index
    tpu.barrier barrier_id(%barrier3A_15)
    %eq3A_16 = arith.constant 0 : i32
    %eq3A_17 = arith.cmpi eq, %arg1, %eq3A_16 : i32
    %convert_element_type3A_18 = arith.extui %eq3A_17 : i1 to i32
    %cond3A_19 = arith.constant 0 : i32
    %cond3A_20 = arith.cmpi ne, %convert_element_type3A_18, %cond3A_19 : i32
    scf.if %cond3A_20 {
      "tpu.region"() ({
        %run_scoped3A = tpu.sem_alloc : memref<!tpu.dma_semaphore, #tpu.memory_space<semaphore_mem>>
        %dma_start3A_21 = arith.constant 0 : i32
        %dma_start3A_22 = arith.constant 0 : i32
        %dma_start3A_23 = tpu.memref_slice %arg6[%arg0, %dma_start3A_21, %dma_start3A_22] : memref<2x128x16xf32, #tpu.memory_space<hbm>> -> memref<1x128x16xf32, #tpu.memory_space<hbm>>
        %dma_start3A_24 = tpu.memref_squeeze %dma_start3A_23 : memref<1x128x16xf32, #tpu.memory_space<hbm>> -> memref<128x16xf32, #tpu.memory_space<hbm>>
        tpu.enqueue_dma source(%arg11 : memref<128x16xf32, #tpu.memory_space<vmem_shared>>) target(%dma_start3A_24 : memref<128x16xf32, #tpu.memory_space<hbm>>) target_semaphore(%run_scoped3A : memref<!tpu.dma_semaphore, #tpu.memory_space<semaphore_mem>>)
        %dma_wait3A_25 = arith.constant 0 : i32
        %dma_wait3A_26 = arith.constant 0 : i32
        %dma_wait3A_27 = tpu.memref_slice %arg6[%arg0, %dma_wait3A_25, %dma_wait3A_26] : memref<2x128x16xf32, #tpu.memory_space<hbm>> -> memref<1x128x16xf32, #tpu.memory_space<hbm>>
        %dma_wait3A_28 = tpu.memref_squeeze %dma_wait3A_27 : memref<1x128x16xf32, #tpu.memory_space<hbm>> -> memref<128x16xf32, #tpu.memory_space<hbm>>
        tpu.wait_dma2 semaphore(%run_scoped3A : memref<!tpu.dma_semaphore, #tpu.memory_space<semaphore_mem>>) src(%arg11 : memref<128x16xf32, #tpu.memory_space<vmem_shared>>) dst(%dma_wait3A_28 : memref<128x16xf32, #tpu.memory_space<hbm>>)
        tpu.yield
      }) : () -> ()
      "tpu.region"() ({
        %run_scoped3A = tpu.sem_alloc : memref<!tpu.dma_semaphore, #tpu.memory_space<semaphore_mem>>
        %dma_start3A_21 = arith.constant 0 : i32
        %dma_start3A_22 = arith.constant 0 : i32
        %dma_start3A_23 = tpu.memref_slice %arg7[%arg0, %dma_start3A_21, %dma_start3A_22] : memref<2x128x16xf32, #tpu.memory_space<hbm>> -> memref<1x128x16xf32, #tpu.memory_space<hbm>>
        %dma_start3A_24 = tpu.memref_squeeze %dma_start3A_23 : memref<1x128x16xf32, #tpu.memory_space<hbm>> -> memref<128x16xf32, #tpu.memory_space<hbm>>
        tpu.enqueue_dma source(%arg12 : memref<128x16xf32, #tpu.memory_space<vmem_shared>>) target(%dma_start3A_24 : memref<128x16xf32, #tpu.memory_space<hbm>>) target_semaphore(%run_scoped3A : memref<!tpu.dma_semaphore, #tpu.memory_space<semaphore_mem>>)
        %dma_wait3A_25 = arith.constant 0 : i32
        %dma_wait3A_26 = arith.constant 0 : i32
        %dma_wait3A_27 = tpu.memref_slice %arg7[%arg0, %dma_wait3A_25, %dma_wait3A_26] : memref<2x128x16xf32, #tpu.memory_space<hbm>> -> memref<1x128x16xf32, #tpu.memory_space<hbm>>
        %dma_wait3A_28 = tpu.memref_squeeze %dma_wait3A_27 : memref<1x128x16xf32, #tpu.memory_space<hbm>> -> memref<128x16xf32, #tpu.memory_space<hbm>>
        tpu.wait_dma2 semaphore(%run_scoped3A : memref<!tpu.dma_semaphore, #tpu.memory_space<semaphore_mem>>) src(%arg12 : memref<128x16xf32, #tpu.memory_space<vmem_shared>>) dst(%dma_wait3A_28 : memref<128x16xf32, #tpu.memory_space<hbm>>)
        tpu.yield
      }) : () -> ()
    } else {
    }
    return
  }
}

module attributes {stable_mosaic.version = 14 : i64} {
  func.func @_tc_xw_body(%arg0: memref<625x16x128xf32, #tpu.memory_space<vmem>>, %arg1: memref<128x16xf32, #tpu.memory_space<vmem>>, %arg2: memref<640x256xf32, #tpu.memory_space<vmem>>) attributes {dimension_semantics = [], scalar_prefetch = 0 : i64, scratch_operands = 0 : i64, tpu.core_type = #tpu.core_type<tc>} {
    %get3A = arith.constant 0 : index
    %get3A_0 = arith.constant 0 : index
    %get3A_1 = arith.constant 0 : index
    %get3A_2 = vector.load %arg0[%get3A, %get3A_0, %get3A_1] : memref<625x16x128xf32, #tpu.memory_space<vmem>>, vector<625x1x128xf32>
    %get3A_3 = vector.shape_cast %get3A_2 : vector<625x1x128xf32> to vector<625x128xf32>
    %get3A_4 = arith.constant 0 : index
    %get3A_5 = arith.constant 0 : index
    %get3A_6 = vector.load %arg1[%get3A_4, %get3A_5] : memref<128x16xf32, #tpu.memory_space<vmem>>, vector<128x16xf32>
    %dot_general3A = arith.constant dense<0.000000e+00> : vector<625x16xf32>
    %dot_general3A_7 = tpu.matmul %get3A_3, %get3A_6, %dot_general3A {dimension_numbers = #tpu.dot_dimension_numbers<[1], [0], [0], [1], [0, 0, 1, 1], [], []>, precision = #tpu.contract_precision<fp32>, transpose_lhs_hint = false} : vector<625x128xf32>, vector<128x16xf32>, vector<625x16xf32> -> vector<625x16xf32>
    %get3A_8 = arith.constant 0 : index
    %get3A_9 = arith.constant 1 : index
    %get3A_10 = arith.constant 0 : index
    %get3A_11 = vector.load %arg0[%get3A_8, %get3A_9, %get3A_10] : memref<625x16x128xf32, #tpu.memory_space<vmem>>, vector<625x1x128xf32>
    %get3A_12 = vector.shape_cast %get3A_11 : vector<625x1x128xf32> to vector<625x128xf32>
    %get3A_13 = arith.constant 0 : index
    %get3A_14 = arith.constant 0 : index
    %get3A_15 = vector.load %arg1[%get3A_13, %get3A_14] : memref<128x16xf32, #tpu.memory_space<vmem>>, vector<128x16xf32>
    %dot_general3A_16 = arith.constant dense<0.000000e+00> : vector<625x16xf32>
    %dot_general3A_17 = tpu.matmul %get3A_12, %get3A_15, %dot_general3A_16 {dimension_numbers = #tpu.dot_dimension_numbers<[1], [0], [0], [1], [0, 0, 1, 1], [], []>, precision = #tpu.contract_precision<fp32>, transpose_lhs_hint = false} : vector<625x128xf32>, vector<128x16xf32>, vector<625x16xf32> -> vector<625x16xf32>
    %get3A_18 = arith.constant 0 : index
    %get3A_19 = arith.constant 2 : index
    %get3A_20 = arith.constant 0 : index
    %get3A_21 = vector.load %arg0[%get3A_18, %get3A_19, %get3A_20] : memref<625x16x128xf32, #tpu.memory_space<vmem>>, vector<625x1x128xf32>
    %get3A_22 = vector.shape_cast %get3A_21 : vector<625x1x128xf32> to vector<625x128xf32>
    %get3A_23 = arith.constant 0 : index
    %get3A_24 = arith.constant 0 : index
    %get3A_25 = vector.load %arg1[%get3A_23, %get3A_24] : memref<128x16xf32, #tpu.memory_space<vmem>>, vector<128x16xf32>
    %dot_general3A_26 = arith.constant dense<0.000000e+00> : vector<625x16xf32>
    %dot_general3A_27 = tpu.matmul %get3A_22, %get3A_25, %dot_general3A_26 {dimension_numbers = #tpu.dot_dimension_numbers<[1], [0], [0], [1], [0, 0, 1, 1], [], []>, precision = #tpu.contract_precision<fp32>, transpose_lhs_hint = false} : vector<625x128xf32>, vector<128x16xf32>, vector<625x16xf32> -> vector<625x16xf32>
    %get3A_28 = arith.constant 0 : index
    %get3A_29 = arith.constant 3 : index
    %get3A_30 = arith.constant 0 : index
    %get3A_31 = vector.load %arg0[%get3A_28, %get3A_29, %get3A_30] : memref<625x16x128xf32, #tpu.memory_space<vmem>>, vector<625x1x128xf32>
    %get3A_32 = vector.shape_cast %get3A_31 : vector<625x1x128xf32> to vector<625x128xf32>
    %get3A_33 = arith.constant 0 : index
    %get3A_34 = arith.constant 0 : index
    %get3A_35 = vector.load %arg1[%get3A_33, %get3A_34] : memref<128x16xf32, #tpu.memory_space<vmem>>, vector<128x16xf32>
    %dot_general3A_36 = arith.constant dense<0.000000e+00> : vector<625x16xf32>
    %dot_general3A_37 = tpu.matmul %get3A_32, %get3A_35, %dot_general3A_36 {dimension_numbers = #tpu.dot_dimension_numbers<[1], [0], [0], [1], [0, 0, 1, 1], [], []>, precision = #tpu.contract_precision<fp32>, transpose_lhs_hint = false} : vector<625x128xf32>, vector<128x16xf32>, vector<625x16xf32> -> vector<625x16xf32>
    %get3A_38 = arith.constant 0 : index
    %get3A_39 = arith.constant 4 : index
    %get3A_40 = arith.constant 0 : index
    %get3A_41 = vector.load %arg0[%get3A_38, %get3A_39, %get3A_40] : memref<625x16x128xf32, #tpu.memory_space<vmem>>, vector<625x1x128xf32>
    %get3A_42 = vector.shape_cast %get3A_41 : vector<625x1x128xf32> to vector<625x128xf32>
    %get3A_43 = arith.constant 0 : index
    %get3A_44 = arith.constant 0 : index
    %get3A_45 = vector.load %arg1[%get3A_43, %get3A_44] : memref<128x16xf32, #tpu.memory_space<vmem>>, vector<128x16xf32>
    %dot_general3A_46 = arith.constant dense<0.000000e+00> : vector<625x16xf32>
    %dot_general3A_47 = tpu.matmul %get3A_42, %get3A_45, %dot_general3A_46 {dimension_numbers = #tpu.dot_dimension_numbers<[1], [0], [0], [1], [0, 0, 1, 1], [], []>, precision = #tpu.contract_precision<fp32>, transpose_lhs_hint = false} : vector<625x128xf32>, vector<128x16xf32>, vector<625x16xf32> -> vector<625x16xf32>
    %get3A_48 = arith.constant 0 : index
    %get3A_49 = arith.constant 5 : index
    %get3A_50 = arith.constant 0 : index
    %get3A_51 = vector.load %arg0[%get3A_48, %get3A_49, %get3A_50] : memref<625x16x128xf32, #tpu.memory_space<vmem>>, vector<625x1x128xf32>
    %get3A_52 = vector.shape_cast %get3A_51 : vector<625x1x128xf32> to vector<625x128xf32>
    %get3A_53 = arith.constant 0 : index
    %get3A_54 = arith.constant 0 : index
    %get3A_55 = vector.load %arg1[%get3A_53, %get3A_54] : memref<128x16xf32, #tpu.memory_space<vmem>>, vector<128x16xf32>
    %dot_general3A_56 = arith.constant dense<0.000000e+00> : vector<625x16xf32>
    %dot_general3A_57 = tpu.matmul %get3A_52, %get3A_55, %dot_general3A_56 {dimension_numbers = #tpu.dot_dimension_numbers<[1], [0], [0], [1], [0, 0, 1, 1], [], []>, precision = #tpu.contract_precision<fp32>, transpose_lhs_hint = false} : vector<625x128xf32>, vector<128x16xf32>, vector<625x16xf32> -> vector<625x16xf32>
    %get3A_58 = arith.constant 0 : index
    %get3A_59 = arith.constant 6 : index
    %get3A_60 = arith.constant 0 : index
    %get3A_61 = vector.load %arg0[%get3A_58, %get3A_59, %get3A_60] : memref<625x16x128xf32, #tpu.memory_space<vmem>>, vector<625x1x128xf32>
    %get3A_62 = vector.shape_cast %get3A_61 : vector<625x1x128xf32> to vector<625x128xf32>
    %get3A_63 = arith.constant 0 : index
    %get3A_64 = arith.constant 0 : index
    %get3A_65 = vector.load %arg1[%get3A_63, %get3A_64] : memref<128x16xf32, #tpu.memory_space<vmem>>, vector<128x16xf32>
    %dot_general3A_66 = arith.constant dense<0.000000e+00> : vector<625x16xf32>
    %dot_general3A_67 = tpu.matmul %get3A_62, %get3A_65, %dot_general3A_66 {dimension_numbers = #tpu.dot_dimension_numbers<[1], [0], [0], [1], [0, 0, 1, 1], [], []>, precision = #tpu.contract_precision<fp32>, transpose_lhs_hint = false} : vector<625x128xf32>, vector<128x16xf32>, vector<625x16xf32> -> vector<625x16xf32>
    %get3A_68 = arith.constant 0 : index
    %get3A_69 = arith.constant 7 : index
    %get3A_70 = arith.constant 0 : index
    %get3A_71 = vector.load %arg0[%get3A_68, %get3A_69, %get3A_70] : memref<625x16x128xf32, #tpu.memory_space<vmem>>, vector<625x1x128xf32>
    %get3A_72 = vector.shape_cast %get3A_71 : vector<625x1x128xf32> to vector<625x128xf32>
    %get3A_73 = arith.constant 0 : index
    %get3A_74 = arith.constant 0 : index
    %get3A_75 = vector.load %arg1[%get3A_73, %get3A_74] : memref<128x16xf32, #tpu.memory_space<vmem>>, vector<128x16xf32>
    %dot_general3A_76 = arith.constant dense<0.000000e+00> : vector<625x16xf32>
    %dot_general3A_77 = tpu.matmul %get3A_72, %get3A_75, %dot_general3A_76 {dimension_numbers = #tpu.dot_dimension_numbers<[1], [0], [0], [1], [0, 0, 1, 1], [], []>, precision = #tpu.contract_precision<fp32>, transpose_lhs_hint = false} : vector<625x128xf32>, vector<128x16xf32>, vector<625x16xf32> -> vector<625x16xf32>
    %get3A_78 = arith.constant 0 : index
    %get3A_79 = arith.constant 8 : index
    %get3A_80 = arith.constant 0 : index
    %get3A_81 = vector.load %arg0[%get3A_78, %get3A_79, %get3A_80] : memref<625x16x128xf32, #tpu.memory_space<vmem>>, vector<625x1x128xf32>
    %get3A_82 = vector.shape_cast %get3A_81 : vector<625x1x128xf32> to vector<625x128xf32>
    %get3A_83 = arith.constant 0 : index
    %get3A_84 = arith.constant 0 : index
    %get3A_85 = vector.load %arg1[%get3A_83, %get3A_84] : memref<128x16xf32, #tpu.memory_space<vmem>>, vector<128x16xf32>
    %dot_general3A_86 = arith.constant dense<0.000000e+00> : vector<625x16xf32>
    %dot_general3A_87 = tpu.matmul %get3A_82, %get3A_85, %dot_general3A_86 {dimension_numbers = #tpu.dot_dimension_numbers<[1], [0], [0], [1], [0, 0, 1, 1], [], []>, precision = #tpu.contract_precision<fp32>, transpose_lhs_hint = false} : vector<625x128xf32>, vector<128x16xf32>, vector<625x16xf32> -> vector<625x16xf32>
    %get3A_88 = arith.constant 0 : index
    %get3A_89 = arith.constant 9 : index
    %get3A_90 = arith.constant 0 : index
    %get3A_91 = vector.load %arg0[%get3A_88, %get3A_89, %get3A_90] : memref<625x16x128xf32, #tpu.memory_space<vmem>>, vector<625x1x128xf32>
    %get3A_92 = vector.shape_cast %get3A_91 : vector<625x1x128xf32> to vector<625x128xf32>
    %get3A_93 = arith.constant 0 : index
    %get3A_94 = arith.constant 0 : index
    %get3A_95 = vector.load %arg1[%get3A_93, %get3A_94] : memref<128x16xf32, #tpu.memory_space<vmem>>, vector<128x16xf32>
    %dot_general3A_96 = arith.constant dense<0.000000e+00> : vector<625x16xf32>
    %dot_general3A_97 = tpu.matmul %get3A_92, %get3A_95, %dot_general3A_96 {dimension_numbers = #tpu.dot_dimension_numbers<[1], [0], [0], [1], [0, 0, 1, 1], [], []>, precision = #tpu.contract_precision<fp32>, transpose_lhs_hint = false} : vector<625x128xf32>, vector<128x16xf32>, vector<625x16xf32> -> vector<625x16xf32>
    %get3A_98 = arith.constant 0 : index
    %get3A_99 = arith.constant 10 : index
    %get3A_100 = arith.constant 0 : index
    %get3A_101 = vector.load %arg0[%get3A_98, %get3A_99, %get3A_100] : memref<625x16x128xf32, #tpu.memory_space<vmem>>, vector<625x1x128xf32>
    %get3A_102 = vector.shape_cast %get3A_101 : vector<625x1x128xf32> to vector<625x128xf32>
    %get3A_103 = arith.constant 0 : index
    %get3A_104 = arith.constant 0 : index
    %get3A_105 = vector.load %arg1[%get3A_103, %get3A_104] : memref<128x16xf32, #tpu.memory_space<vmem>>, vector<128x16xf32>
    %dot_general3A_106 = arith.constant dense<0.000000e+00> : vector<625x16xf32>
    %dot_general3A_107 = tpu.matmul %get3A_102, %get3A_105, %dot_general3A_106 {dimension_numbers = #tpu.dot_dimension_numbers<[1], [0], [0], [1], [0, 0, 1, 1], [], []>, precision = #tpu.contract_precision<fp32>, transpose_lhs_hint = false} : vector<625x128xf32>, vector<128x16xf32>, vector<625x16xf32> -> vector<625x16xf32>
    %get3A_108 = arith.constant 0 : index
    %get3A_109 = arith.constant 11 : index
    %get3A_110 = arith.constant 0 : index
    %get3A_111 = vector.load %arg0[%get3A_108, %get3A_109, %get3A_110] : memref<625x16x128xf32, #tpu.memory_space<vmem>>, vector<625x1x128xf32>
    %get3A_112 = vector.shape_cast %get3A_111 : vector<625x1x128xf32> to vector<625x128xf32>
    %get3A_113 = arith.constant 0 : index
    %get3A_114 = arith.constant 0 : index
    %get3A_115 = vector.load %arg1[%get3A_113, %get3A_114] : memref<128x16xf32, #tpu.memory_space<vmem>>, vector<128x16xf32>
    %dot_general3A_116 = arith.constant dense<0.000000e+00> : vector<625x16xf32>
    %dot_general3A_117 = tpu.matmul %get3A_112, %get3A_115, %dot_general3A_116 {dimension_numbers = #tpu.dot_dimension_numbers<[1], [0], [0], [1], [0, 0, 1, 1], [], []>, precision = #tpu.contract_precision<fp32>, transpose_lhs_hint = false} : vector<625x128xf32>, vector<128x16xf32>, vector<625x16xf32> -> vector<625x16xf32>
    %get3A_118 = arith.constant 0 : index
    %get3A_119 = arith.constant 12 : index
    %get3A_120 = arith.constant 0 : index
    %get3A_121 = vector.load %arg0[%get3A_118, %get3A_119, %get3A_120] : memref<625x16x128xf32, #tpu.memory_space<vmem>>, vector<625x1x128xf32>
    %get3A_122 = vector.shape_cast %get3A_121 : vector<625x1x128xf32> to vector<625x128xf32>
    %get3A_123 = arith.constant 0 : index
    %get3A_124 = arith.constant 0 : index
    %get3A_125 = vector.load %arg1[%get3A_123, %get3A_124] : memref<128x16xf32, #tpu.memory_space<vmem>>, vector<128x16xf32>
    %dot_general3A_126 = arith.constant dense<0.000000e+00> : vector<625x16xf32>
    %dot_general3A_127 = tpu.matmul %get3A_122, %get3A_125, %dot_general3A_126 {dimension_numbers = #tpu.dot_dimension_numbers<[1], [0], [0], [1], [0, 0, 1, 1], [], []>, precision = #tpu.contract_precision<fp32>, transpose_lhs_hint = false} : vector<625x128xf32>, vector<128x16xf32>, vector<625x16xf32> -> vector<625x16xf32>
    %get3A_128 = arith.constant 0 : index
    %get3A_129 = arith.constant 13 : index
    %get3A_130 = arith.constant 0 : index
    %get3A_131 = vector.load %arg0[%get3A_128, %get3A_129, %get3A_130] : memref<625x16x128xf32, #tpu.memory_space<vmem>>, vector<625x1x128xf32>
    %get3A_132 = vector.shape_cast %get3A_131 : vector<625x1x128xf32> to vector<625x128xf32>
    %get3A_133 = arith.constant 0 : index
    %get3A_134 = arith.constant 0 : index
    %get3A_135 = vector.load %arg1[%get3A_133, %get3A_134] : memref<128x16xf32, #tpu.memory_space<vmem>>, vector<128x16xf32>
    %dot_general3A_136 = arith.constant dense<0.000000e+00> : vector<625x16xf32>
    %dot_general3A_137 = tpu.matmul %get3A_132, %get3A_135, %dot_general3A_136 {dimension_numbers = #tpu.dot_dimension_numbers<[1], [0], [0], [1], [0, 0, 1, 1], [], []>, precision = #tpu.contract_precision<fp32>, transpose_lhs_hint = false} : vector<625x128xf32>, vector<128x16xf32>, vector<625x16xf32> -> vector<625x16xf32>
    %get3A_138 = arith.constant 0 : index
    %get3A_139 = arith.constant 14 : index
    %get3A_140 = arith.constant 0 : index
    %get3A_141 = vector.load %arg0[%get3A_138, %get3A_139, %get3A_140] : memref<625x16x128xf32, #tpu.memory_space<vmem>>, vector<625x1x128xf32>
    %get3A_142 = vector.shape_cast %get3A_141 : vector<625x1x128xf32> to vector<625x128xf32>
    %get3A_143 = arith.constant 0 : index
    %get3A_144 = arith.constant 0 : index
    %get3A_145 = vector.load %arg1[%get3A_143, %get3A_144] : memref<128x16xf32, #tpu.memory_space<vmem>>, vector<128x16xf32>
    %dot_general3A_146 = arith.constant dense<0.000000e+00> : vector<625x16xf32>
    %dot_general3A_147 = tpu.matmul %get3A_142, %get3A_145, %dot_general3A_146 {dimension_numbers = #tpu.dot_dimension_numbers<[1], [0], [0], [1], [0, 0, 1, 1], [], []>, precision = #tpu.contract_precision<fp32>, transpose_lhs_hint = false} : vector<625x128xf32>, vector<128x16xf32>, vector<625x16xf32> -> vector<625x16xf32>
    %get3A_148 = arith.constant 0 : index
    %get3A_149 = arith.constant 15 : index
    %get3A_150 = arith.constant 0 : index
    %get3A_151 = vector.load %arg0[%get3A_148, %get3A_149, %get3A_150] : memref<625x16x128xf32, #tpu.memory_space<vmem>>, vector<625x1x128xf32>
    %get3A_152 = vector.shape_cast %get3A_151 : vector<625x1x128xf32> to vector<625x128xf32>
    %get3A_153 = arith.constant 0 : index
    %get3A_154 = arith.constant 0 : index
    %get3A_155 = vector.load %arg1[%get3A_153, %get3A_154] : memref<128x16xf32, #tpu.memory_space<vmem>>, vector<128x16xf32>
    %dot_general3A_156 = arith.constant dense<0.000000e+00> : vector<625x16xf32>
    %dot_general3A_157 = tpu.matmul %get3A_152, %get3A_155, %dot_general3A_156 {dimension_numbers = #tpu.dot_dimension_numbers<[1], [0], [0], [1], [0, 0, 1, 1], [], []>, precision = #tpu.contract_precision<fp32>, transpose_lhs_hint = false} : vector<625x128xf32>, vector<128x16xf32>, vector<625x16xf32> -> vector<625x16xf32>
    %concatenate3A = tpu.concatenate %dot_general3A_7, %dot_general3A_17, %dot_general3A_27, %dot_general3A_37, %dot_general3A_47, %dot_general3A_57, %dot_general3A_67, %dot_general3A_77, %dot_general3A_87, %dot_general3A_97, %dot_general3A_107, %dot_general3A_117, %dot_general3A_127, %dot_general3A_137, %dot_general3A_147, %dot_general3A_157 in 1 : vector<625x16xf32>, vector<625x16xf32>, vector<625x16xf32>, vector<625x16xf32>, vector<625x16xf32>, vector<625x16xf32>, vector<625x16xf32>, vector<625x16xf32>, vector<625x16xf32>, vector<625x16xf32>, vector<625x16xf32>, vector<625x16xf32>, vector<625x16xf32>, vector<625x16xf32>, vector<625x16xf32>, vector<625x16xf32> -> vector<625x256xf32>
    %broadcast_in_dim3A = arith.constant 0.000000e+00 : f32
    %broadcast_in_dim3A_158 = vector.broadcast %broadcast_in_dim3A : f32 to vector<15x256xf32>
    %concatenate3A_159 = tpu.concatenate %concatenate3A, %broadcast_in_dim3A_158 in 0 : vector<625x256xf32>, vector<15x256xf32> -> vector<640x256xf32>
    %swap3A = arith.constant 0 : index
    %swap3A_160 = arith.constant 0 : index
    %swap3A_161 = vector.load %arg2[%swap3A, %swap3A_160] : memref<640x256xf32, #tpu.memory_space<vmem>>, vector<640x256xf32>
    tpu.vector_store %arg2[%swap3A, %swap3A_160], %concatenate3A_159 {strides = array<i32>} : memref<640x256xf32, #tpu.memory_space<vmem>>, vector<640x256xf32>,
    return
  }
}

module attributes {stable_mosaic.version = 14 : i64} {
  func.func @_tc_xn_body(%arg0: memref<640x256xf32, #tpu.memory_space<vmem>>, %arg1: memref<2x640x16xf32, #tpu.memory_space<vmem>>, %arg2: memref<16x256xf32, #tpu.memory_space<vmem>>, %arg3: memref<640x256xf32, #tpu.memory_space<vmem>>, %arg4: memref<640x256xf32, #tpu.memory_space<vmem>>) attributes {dimension_semantics = [], scalar_prefetch = 0 : i64, scratch_operands = 0 : i64, tpu.core_type = #tpu.core_type<tc>} {
    %get3A = arith.constant 0 : index
    %get3A_0 = arith.constant 0 : index
    %get3A_1 = arith.constant 0 : index
    %get3A_2 = vector.load %arg1[%get3A, %get3A_0, %get3A_1] : memref<2x640x16xf32, #tpu.memory_space<vmem>>, vector<1x640x16xf32>
    %get3A_3 = vector.shape_cast %get3A_2 : vector<1x640x16xf32> to vector<640x16xf32>
    %get3A_4 = arith.constant 1 : index
    %get3A_5 = arith.constant 0 : index
    %get3A_6 = arith.constant 0 : index
    %get3A_7 = vector.load %arg1[%get3A_4, %get3A_5, %get3A_6] : memref<2x640x16xf32, #tpu.memory_space<vmem>>, vector<1x640x16xf32>
    %get3A_8 = vector.shape_cast %get3A_7 : vector<1x640x16xf32> to vector<640x16xf32>
    %add3A = arith.addf %get3A_3, %get3A_8 : vector<640x16xf32>
    %get3A_9 = arith.constant 0 : index
    %get3A_10 = arith.constant 0 : index
    %get3A_11 = vector.load %arg2[%get3A_9, %get3A_10] : memref<16x256xf32, #tpu.memory_space<vmem>>, vector<16x256xf32>
    %dot_general3A = arith.constant dense<0.000000e+00> : vector<640x256xf32>
    %dot_general3A_12 = tpu.matmul %add3A, %get3A_11, %dot_general3A {dimension_numbers = #tpu.dot_dimension_numbers<[1], [0], [0], [1], [0, 0, 1, 1], [], []>, precision = #tpu.contract_precision<fp32>, transpose_lhs_hint = false} : vector<640x16xf32>, vector<16x256xf32>, vector<640x256xf32> -> vector<640x256xf32>
    %add3A_13 = arith.constant 1.000000e+00 : f32
    %add3A_14 = vector.broadcast %add3A_13 : f32 to vector<640x256xf32>
    %add3A_15 = arith.addf %dot_general3A_12, %add3A_14 : vector<640x256xf32>
    %rsqrt3A = math.rsqrt %add3A_15 : vector<640x256xf32>
    %swap3A = arith.constant 0 : index
    %swap3A_16 = arith.constant 0 : index
    %swap3A_17 = vector.load %arg4[%swap3A, %swap3A_16] : memref<640x256xf32, #tpu.memory_space<vmem>>, vector<640x256xf32>
    tpu.vector_store %arg4[%swap3A, %swap3A_16], %rsqrt3A {strides = array<i32>} : memref<640x256xf32, #tpu.memory_space<vmem>>, vector<640x256xf32>,
    %get3A_18 = arith.constant 0 : index
    %get3A_19 = arith.constant 0 : index
    %get3A_20 = vector.load %arg0[%get3A_18, %get3A_19] : memref<640x256xf32, #tpu.memory_space<vmem>>, vector<640x256xf32>
    %mul3A = arith.mulf %get3A_20, %rsqrt3A : vector<640x256xf32>
    %swap3A_21 = arith.constant 0 : index
    %swap3A_22 = arith.constant 0 : index
    %swap3A_23 = vector.load %arg3[%swap3A_21, %swap3A_22] : memref<640x256xf32, #tpu.memory_space<vmem>>, vector<640x256xf32>
    tpu.vector_store %arg3[%swap3A_21, %swap3A_22], %mul3A {strides = array<i32>} : memref<640x256xf32, #tpu.memory_space<vmem>>, vector<640x256xf32>,
    return
  }
}

module attributes {stable_mosaic.version = 14 : i64} {
  func.func @_tc_h_body(%arg0: memref<2x640x256xf32, #tpu.memory_space<vmem>>, %arg1: memref<640x256xf32, #tpu.memory_space<vmem>>, %arg2: memref<640x256xf32, #tpu.memory_space<vmem>>, %arg3: memref<1x256xf32, #tpu.memory_space<vmem>>, %arg4: memref<640x256xf32, #tpu.memory_space<vmem>>) attributes {dimension_semantics = [], scalar_prefetch = 0 : i64, scratch_operands = 0 : i64, tpu.core_type = #tpu.core_type<tc>} {
    %get3A = arith.constant 0 : index
    %get3A_0 = arith.constant 0 : index
    %get3A_1 = arith.constant 0 : index
    %get3A_2 = vector.load %arg0[%get3A, %get3A_0, %get3A_1] : memref<2x640x256xf32, #tpu.memory_space<vmem>>, vector<1x640x256xf32>
    %get3A_3 = vector.shape_cast %get3A_2 : vector<1x640x256xf32> to vector<640x256xf32>
    %get3A_4 = arith.constant 1 : index
    %get3A_5 = arith.constant 0 : index
    %get3A_6 = arith.constant 0 : index
    %get3A_7 = vector.load %arg0[%get3A_4, %get3A_5, %get3A_6] : memref<2x640x256xf32, #tpu.memory_space<vmem>>, vector<1x640x256xf32>
    %get3A_8 = vector.shape_cast %get3A_7 : vector<1x640x256xf32> to vector<640x256xf32>
    %add3A = arith.addf %get3A_3, %get3A_8 : vector<640x256xf32>
    %get3A_9 = arith.constant 0 : index
    %get3A_10 = arith.constant 0 : index
    %get3A_11 = vector.load %arg1[%get3A_9, %get3A_10] : memref<640x256xf32, #tpu.memory_space<vmem>>, vector<640x256xf32>
    %add3A_12 = arith.addf %add3A, %get3A_11 : vector<640x256xf32>
    %get3A_13 = arith.constant 0 : index
    %get3A_14 = arith.constant 0 : index
    %get3A_15 = vector.load %arg2[%get3A_13, %get3A_14] : memref<640x256xf32, #tpu.memory_space<vmem>>, vector<640x256xf32>
    %mul3A = arith.mulf %get3A_15, %add3A_12 : vector<640x256xf32>
    %get3A_16 = arith.constant 0 : index
    %get3A_17 = arith.constant 0 : index
    %get3A_18 = vector.load %arg3[%get3A_16, %get3A_17] : memref<1x256xf32, #tpu.memory_space<vmem>>, vector<1x256xf32>
    %add3A_19 = vector.broadcast %get3A_18 : vector<1x256xf32> to vector<640x256xf32>
    %add3A_20 = arith.addf %mul3A, %add3A_19 : vector<640x256xf32>
    %max3A = arith.constant 0.000000e+00 : f32
    %max3A_21 = vector.broadcast %max3A : f32 to vector<640x256xf32>
    %max3A_22 = arith.maximumf %add3A_20, %max3A_21 : vector<640x256xf32>
    %swap3A = arith.constant 0 : index
    %swap3A_23 = arith.constant 0 : index
    %swap3A_24 = vector.load %arg4[%swap3A, %swap3A_23] : memref<640x256xf32, #tpu.memory_space<vmem>>, vector<640x256xf32>
    tpu.vector_store %arg4[%swap3A, %swap3A_23], %max3A_22 {strides = array<i32>} : memref<640x256xf32, #tpu.memory_space<vmem>>, vector<640x256xf32>,
    return
  }
}

module attributes {stable_mosaic.version = 14 : i64} {
  func.func @_tc_head_body(%arg0: memref<2x128x16xf32, #tpu.memory_space<vmem>>, %arg1: memref<2x128x16xf32, #tpu.memory_space<vmem>>, %arg2: memref<16x64xf32, #tpu.memory_space<vmem>>, %arg3: memref<1x64xf32, #tpu.memory_space<vmem>>, %arg4: memref<64x64xf32, #tpu.memory_space<vmem>>, %arg5: memref<1x64xf32, #tpu.memory_space<vmem>>, %arg6: memref<64x80xf32, #tpu.memory_space<vmem>>, %arg7: memref<1x80xf32, #tpu.memory_space<vmem>>, %arg8: memref<128x80xf32, #tpu.memory_space<vmem>>) attributes {dimension_semantics = [], scalar_prefetch = 0 : i64, scratch_operands = 0 : i64, tpu.core_type = #tpu.core_type<tc>} {
    %get3A = arith.constant 0 : index
    %get3A_0 = arith.constant 0 : index
    %get3A_1 = arith.constant 0 : index
    %get3A_2 = vector.load %arg0[%get3A, %get3A_0, %get3A_1] : memref<2x128x16xf32, #tpu.memory_space<vmem>>, vector<1x128x16xf32>
    %get3A_3 = vector.shape_cast %get3A_2 : vector<1x128x16xf32> to vector<128x16xf32>
    %get3A_4 = arith.constant 1 : index
    %get3A_5 = arith.constant 0 : index
    %get3A_6 = arith.constant 0 : index
    %get3A_7 = vector.load %arg0[%get3A_4, %get3A_5, %get3A_6] : memref<2x128x16xf32, #tpu.memory_space<vmem>>, vector<1x128x16xf32>
    %get3A_8 = vector.shape_cast %get3A_7 : vector<1x128x16xf32> to vector<128x16xf32>
    %add3A = arith.addf %get3A_3, %get3A_8 : vector<128x16xf32>
    %get3A_9 = arith.constant 0 : index
    %get3A_10 = arith.constant 0 : index
    %get3A_11 = arith.constant 0 : index
    %get3A_12 = vector.load %arg1[%get3A_9, %get3A_10, %get3A_11] : memref<2x128x16xf32, #tpu.memory_space<vmem>>, vector<1x128x16xf32>
    %get3A_13 = vector.shape_cast %get3A_12 : vector<1x128x16xf32> to vector<128x16xf32>
    %get3A_14 = arith.constant 1 : index
    %get3A_15 = arith.constant 0 : index
    %get3A_16 = arith.constant 0 : index
    %get3A_17 = vector.load %arg1[%get3A_14, %get3A_15, %get3A_16] : memref<2x128x16xf32, #tpu.memory_space<vmem>>, vector<1x128x16xf32>
    %get3A_18 = vector.shape_cast %get3A_17 : vector<1x128x16xf32> to vector<128x16xf32>
    %add3A_19 = arith.addf %get3A_13, %get3A_18 : vector<128x16xf32>
    %max3A = arith.constant 1.000000e+00 : f32
    %max3A_20 = vector.broadcast %max3A : f32 to vector<128x16xf32>
    %max3A_21 = arith.maximumf %add3A_19, %max3A_20 : vector<128x16xf32>
    %div3A = arith.divf %add3A, %max3A_21 : vector<128x16xf32>
    %get3A_22 = arith.constant 0 : index
    %get3A_23 = arith.constant 0 : index
    %get3A_24 = vector.load %arg2[%get3A_22, %get3A_23] : memref<16x64xf32, #tpu.memory_space<vmem>>, vector<16x64xf32>
    %dot_general3A = arith.constant dense<0.000000e+00> : vector<128x64xf32>
    %dot_general3A_25 = tpu.matmul %div3A, %get3A_24, %dot_general3A {dimension_numbers = #tpu.dot_dimension_numbers<[1], [0], [0], [1], [0, 0, 1, 1], [], []>, precision = #tpu.contract_precision<fp32>, transpose_lhs_hint = false} : vector<128x16xf32>, vector<16x64xf32>, vector<128x64xf32> -> vector<128x64xf32>
    %get3A_26 = arith.constant 0 : index
    %get3A_27 = arith.constant 0 : index
    %get3A_28 = vector.load %arg3[%get3A_26, %get3A_27] : memref<1x64xf32, #tpu.memory_space<vmem>>, vector<1x64xf32>
    %add3A_29 = vector.broadcast %get3A_28 : vector<1x64xf32> to vector<128x64xf32>
    %add3A_30 = arith.addf %dot_general3A_25, %add3A_29 : vector<128x64xf32>
    %gt3A = arith.constant 0.000000e+00 : f32
    %gt3A_31 = vector.broadcast %gt3A : f32 to vector<128x64xf32>
    %gt3A_32 = arith.cmpf ogt, %add3A_30, %gt3A_31 : vector<128x64xf32>
    %min3A = arith.constant 0.000000e+00 : f32
    %min3A_33 = vector.broadcast %min3A : f32 to vector<128x64xf32>
    %min3A_34 = arith.minimumf %add3A_30, %min3A_33 : vector<128x64xf32>
    %exp3A = math.exp %min3A_34 : vector<128x64xf32>
    %sub3A = arith.constant 1.000000e+00 : f32
    %sub3A_35 = vector.broadcast %sub3A : f32 to vector<128x64xf32>
    %sub3A_36 = arith.subf %exp3A, %sub3A_35 : vector<128x64xf32>
    %select_n3A = arith.select %gt3A_32, %add3A_30, %sub3A_36 : vector<128x64xi1>, vector<128x64xf32>
    %get3A_37 = arith.constant 0 : index
    %get3A_38 = arith.constant 0 : index
    %get3A_39 = vector.load %arg4[%get3A_37, %get3A_38] : memref<64x64xf32, #tpu.memory_space<vmem>>, vector<64x64xf32>
    %dot_general3A_40 = arith.constant dense<0.000000e+00> : vector<128x64xf32>
    %dot_general3A_41 = tpu.matmul %select_n3A, %get3A_39, %dot_general3A_40 {dimension_numbers = #tpu.dot_dimension_numbers<[1], [0], [0], [1], [0, 0, 1, 1], [], []>, precision = #tpu.contract_precision<fp32>, transpose_lhs_hint = false} : vector<128x64xf32>, vector<64x64xf32>, vector<128x64xf32> -> vector<128x64xf32>
    %get3A_42 = arith.constant 0 : index
    %get3A_43 = arith.constant 0 : index
    %get3A_44 = vector.load %arg5[%get3A_42, %get3A_43] : memref<1x64xf32, #tpu.memory_space<vmem>>, vector<1x64xf32>
    %add3A_45 = vector.broadcast %get3A_44 : vector<1x64xf32> to vector<128x64xf32>
    %add3A_46 = arith.addf %dot_general3A_41, %add3A_45 : vector<128x64xf32>
    %gt3A_47 = arith.constant 0.000000e+00 : f32
    %gt3A_48 = vector.broadcast %gt3A_47 : f32 to vector<128x64xf32>
    %gt3A_49 = arith.cmpf ogt, %add3A_46, %gt3A_48 : vector<128x64xf32>
    %min3A_50 = arith.constant 0.000000e+00 : f32
    %min3A_51 = vector.broadcast %min3A_50 : f32 to vector<128x64xf32>
    %min3A_52 = arith.minimumf %add3A_46, %min3A_51 : vector<128x64xf32>
    %exp3A_53 = math.exp %min3A_52 : vector<128x64xf32>
    %sub3A_54 = arith.constant 1.000000e+00 : f32
    %sub3A_55 = vector.broadcast %sub3A_54 : f32 to vector<128x64xf32>
    %sub3A_56 = arith.subf %exp3A_53, %sub3A_55 : vector<128x64xf32>
    %select_n3A_57 = arith.select %gt3A_49, %add3A_46, %sub3A_56 : vector<128x64xi1>, vector<128x64xf32>
    %get3A_58 = arith.constant 0 : index
    %get3A_59 = arith.constant 0 : index
    %get3A_60 = vector.load %arg6[%get3A_58, %get3A_59] : memref<64x80xf32, #tpu.memory_space<vmem>>, vector<64x80xf32>
    %dot_general3A_61 = arith.constant dense<0.000000e+00> : vector<128x80xf32>
    %dot_general3A_62 = tpu.matmul %select_n3A_57, %get3A_60, %dot_general3A_61 {dimension_numbers = #tpu.dot_dimension_numbers<[1], [0], [0], [1], [0, 0, 1, 1], [], []>, precision = #tpu.contract_precision<fp32>, transpose_lhs_hint = false} : vector<128x64xf32>, vector<64x80xf32>, vector<128x80xf32> -> vector<128x80xf32>
    %get3A_63 = arith.constant 0 : index
    %get3A_64 = arith.constant 0 : index
    %get3A_65 = vector.load %arg7[%get3A_63, %get3A_64] : memref<1x80xf32, #tpu.memory_space<vmem>>, vector<1x80xf32>
    %add3A_66 = vector.broadcast %get3A_65 : vector<1x80xf32> to vector<128x80xf32>
    %add3A_67 = arith.addf %dot_general3A_62, %add3A_66 : vector<128x80xf32>
    %swap3A = arith.constant 0 : index
    %swap3A_68 = arith.constant 0 : index
    %swap3A_69 = vector.load %arg8[%swap3A, %swap3A_68] : memref<128x80xf32, #tpu.memory_space<vmem>>, vector<128x80xf32>
    tpu.vector_store %arg8[%swap3A, %swap3A_68], %add3A_67 {strides = array<i32>} : memref<128x80xf32, #tpu.memory_space<vmem>>, vector<128x80xf32>,
    return
  }
}

</mosaic_0001>

<sc_bundles>
// kernel: kernel.12.cloned.1.call-start
scs
__scs_entry_jumppad:
0x0: {  	(pc) =	sbr.rel $0x88, $3  }
0x1: {  	(tag) =	ssettag $0x0;
	lr =	simm.s32 $0x1  }
0x2: {  	[smem:$0x3F96] =	sst lr;
	_ =	strace $0xD0000000  }
0x3: {  	_ = 	snop  }
0x4: {  	_ = 	snop  }
0x5: {  	_ = 	snop  }
0x6: {  	_ = 	snop  }
0x7: {  	_ = 	snop  }
__scs_overlays_trampoline_lowered:
0x8: {  	[smem:$0x3FA5] =	sst s0  }
0x9: {  	[smem:$0x3FA6] =	sst s1  }
0xa: {  	[smem:$0x3FA7] =	sst s2  }
0xb: {  	[smem:$0x3FA8] =	sst s3  }
0xc: {  	[smem:$0x3FA9] =	sst s4  }
0xd: {  	[smem:$0x3FAA] =	sst s5  }
0xe: {  	[smem:$0x3FAB] =	sst s6  }
0xf: {  	[smem:$0x3FAC] =	sst s7  }
0x10: {  	[smem:$0x3FAD] =	sst s8  }
0x11: {  	[smem:$0x3FAE] =	sst s9;
	s0 =	simm.s32 @!p0 $0x0  }
0x12: {  	s1 =	sld [smem:$0x3F94];
	s0 =	simm.s32 @p0 $0x1  }
0x13: {  	[smem:$0x3FAF] =	sst s0;
	s0 =	simm.s32 @!p1 $0x0  }
0x14: {  	s2 =	sld [smem:$0x3F93];
	s0 =	simm.s32 @p1 $0x1  }
0x15: {  	[smem:$0x3FB0] =	sst s0;
	s0 =	simm.s32 @!p2 $0x0  }
0x16: {  	s3 =	sld [smem:$0x3FDB];
	s0 =	simm.s32 @p2 $0x1  }
0x17: {  	s4 =	simm.s32 $0x1BF5;
	[smem:$0x3FB2] =	sst s0  }
0x18: {  	s0 =	sld [smem:$0x3F95];
	_ =	swait.ge [sflag:s4], $0x0  }
0x19: {  	s7 =	sld [smem:$0x3F96]  }
0x1a: {  	s8 =	sadd.s32 $0xFFFFE003, lr  }
0x1b: {  	s9 =	sadd.s32 $0xFFFFFEF7, lr;
	s5 =	simm.s32 $0xFFFFFFFF;
	p2 =	slt.u32 s8, $0xFFFFF086  }
0x1c: {  	p1 =	slt.u32 s9, $0xF7A;
	s5 =	simm.s32 @!p2 $0x0  }
0x1d: {  	s5 =	simm.s32 @p1 $0x1;
	p0 =	seq.s32 s7, s2  }
0x1e: {  	s7 =	smul.u32 @!p0 $0xF7A, s2;
	p2 =	seq.s32 @!p0 s5, $0x0  }
0x1f: {  	s9 =	smul.u32 $0xF7A, s1;
	s8 =	simm.s32 @!p0 $0x1BF5;
	p2 =	por !p2, p0  }
0x20: {  	[sflag:s8] =	ssyncset.s32 @!p0 $0xFFFFF086;
	s6 =	sadd.s32 @!p0 s3, s7;
	s7 =	simm.s32 @!p0 $0x108  }
0x21: {  	s3 =	sadd.s32 s3, s9;
	s6 =	sadd.s32 @!p0 $0x88, s6;
	s7 =	simm.s32 @p2 $0x1082  }
0x22: {  	[simem:s7], [sflag:s8] =	dma.local @!p0 [hbm:s6], $0xF7A  }
0x23: {  	s9 =	sor.u32 $0xD0000000, s2;
	s6 =	simm.s32 $0x108;
	_ =	swait.ge @!p0 [sflag:s8], $0x0  }
0x24: {  	s3 =	sadd.s32 $0x88, s3;
	s6 =	simm.s32 @!p1 $0x1082;
	[sflag:s4] =	ssyncset.s32 $0xFFFFF086  }
0x25: {  	[simem:s6], [sflag:s4] =	dma.local [hbm:s3], $0xF7A  }
0x26: {  	[smem:$0x3F96] =	sst s1;
	(tag) =	ssettag s2;
	_ =	strace s9  }
0x27: {  	s1 =	sld [smem:$0x3FA6]  }
0x28: {  	s2 =	sld [smem:$0x3FA7]  }
0x29: {  	s4 =	sld [smem:$0x3FA9]  }
0x2a: {  	p0 =	seq.s32 s5, $0x0;
	s5 =	sld [smem:$0x3FAA]  }
0x2b: {  	s6 =	sld [smem:$0x3FAB]  }
0x2c: {  	s7 =	sld [smem:$0x3FAC]  }
0x2d: {  	s3 =	simm.s32 $0x108;
	s8 =	sld [smem:$0x3FAD]  }
0x2e: {  	s3 =	simm.s32 @!p0 $0x1082;
	s9 =	sld [smem:$0x3FAE]  }
0x2f: {  	lr =	sadd.s32 s0, s3;
	s0 =	sld [smem:$0x3FA5]  }
0x30: {  	s3 =	sld [smem:$0x3FA8]  }
0x31: {  	[smem:$0x3FB1] =	sst s10  }
0x32: {  	s10 =	sld [smem:$0x3FAF];
	_ =	sdelay $0x3  }
0x33: {  	p0 =	seq.s32 s10, $0x1;
	s10 =	sld [smem:$0x3FB1];
	_ =	sdelay $0x3  }
0x34: {  	[smem:$0x3FB1] =	sst s10  }
0x35: {  	s10 =	sld [smem:$0x3FB0];
	_ =	sdelay $0x3  }
0x36: {  	p1 =	seq.s32 s10, $0x1;
	s10 =	sld [smem:$0x3FB1];
	_ =	sdelay $0x3  }
0x37: {  	[smem:$0x3FB1] =	sst s10  }
0x38: {  	s10 =	sld [smem:$0x3FB2]  }
0x39: {  	_ = 	snop;
	(pc) =	sbr.ind lr, $3  }
0x3a: {  	_ = 	snop  }
0x3b: {  	_ = 	snop  }
0x3c: {  	p2 =	seq.s32 s10, $0x1;
	s10 =	sld [smem:$0x3FB1]  }
0x3d: {  	_ =	shalt  }
0x3e: {  	_ =	shalt  }
0x3f: {  	_ =	shalt  }
0x40: {  	_ =	shalt  }
0x41: {  	_ =	shalt  }
0x42: {  	_ =	shalt  }
0x43: {  	_ =	shalt  }
0x44: {  	_ =	shalt  }
0x45: {  	_ =	shalt  }
0x46: {  	_ =	shalt  }
0x47: {  	_ =	shalt  }
0x48: {  	_ =	shalt  }
0x49: {  	_ =	shalt  }
0x4a: {  	_ =	shalt  }
0x4b: {  	_ =	shalt  }
0x4c: {  	_ =	shalt  }
0x4d: {  	_ =	shalt  }
0x4e: {  	_ =	shalt  }
0x4f: {  	_ =	shalt  }
0x50: {  	_ =	shalt  }
0x51: {  	_ =	shalt  }
0x52: {  	_ =	shalt  }
0x53: {  	_ =	shalt  }
0x54: {  	_ =	shalt  }
0x55: {  	_ =	shalt  }
0x56: {  	_ =	shalt  }
0x57: {  	_ =	shalt  }
0x58: {  	_ =	shalt  }
0x59: {  	_ =	shalt  }
0x5a: {  	_ =	shalt  }
0x5b: {  	_ =	shalt  }
0x5c: {  	_ =	shalt  }
0x5d: {  	_ =	shalt  }
0x5e: {  	_ =	shalt  }
0x5f: {  	_ =	shalt  }
0x60: {  	_ =	shalt  }
0x61: {  	_ =	shalt  }
0x62: {  	_ =	shalt  }
0x63: {  	_ =	shalt  }
0x64: {  	_ =	shalt  }
0x65: {  	_ =	shalt  }
0x66: {  	_ =	shalt  }
0x67: {  	_ =	shalt  }
0x68: {  	_ =	shalt  }
0x69: {  	_ =	shalt  }
0x6a: {  	_ =	shalt  }
0x6b: {  	_ =	shalt  }
0x6c: {  	_ =	shalt  }
0x6d: {  	_ =	shalt  }
0x6e: {  	_ =	shalt  }
0x6f: {  	_ =	shalt  }
0x70: {  	_ =	shalt  }
0x71: {  	_ =	shalt  }
0x72: {  	_ =	shalt  }
0x73: {  	_ =	shalt  }
0x74: {  	_ =	shalt  }
0x75: {  	_ =	shalt  }
0x76: {  	_ =	shalt  }
0x77: {  	_ =	shalt  }
0x78: {  	_ =	shalt  }
0x79: {  	_ =	shalt  }
0x7a: {  	_ =	shalt  }
0x7b: {  	_ =	shalt  }
0x7c: {  	_ =	shalt  }
0x7d: {  	_ =	shalt  }
0x7e: {  	_ =	shalt  }
0x7f: {  	_ =	shalt  }
0x80: {  	_ =	shalt  }
0x81: {  	_ =	shalt  }
0x82: {  	_ =	shalt  }
0x83: {  	_ =	shalt  }
0x84: {  	_ =	shalt  }
0x85: {  	_ =	shalt  }
0x86: {  	_ =	shalt  }
0x87: {  	_ =	shalt  }
.Lfunc_end0:
.L_simem_size_0:
called_computation.1_lowered:
.L_overlay_start_0:
0x88: {  	s2 =	sld [smem:$0x3FD9]  }
0x89: {  	s3 =	sld [smem:$0x3FFE];
	_ =	sdelay $0x1  }
0x8a: {  	s1 =	srdreg.scid  }
0x8b: {  	s0 =	sand.u32 $0x1, s1  }
0x8c: {  	s16 =	sshll.u32 s0, $0xA;
	s2 =	sadd.s32 s3, s2  }
0x8d: {  	s2 =	sadd.s32 s2, s16  }
0x8e: {  	[smem:$0x3FBD] =	sst s2  }
0x8f: {  	_ = 	snop  }
0x90: {  	(tm) =	ssettm $0x1  }
0x91: {  	s17 =	sld [smem:$0x3FFB];
	_ =	sdelay $0x3  }
0x92: {  	_ =	strace s17  }
0x93: {  	s2 =	sld [smem:$0x3FFC];
	_ =	sdelay $0x3  }
0x94: {  	_ =	strace s2  }
0x95: {  	s2 =	sld [smem:$0x3FFD];
	_ =	sdelay $0x3  }
0x96: {  	_ =	strace s2  }
0x97: {  	_ =	strace $0x8FFFFFFF  }
0x98: {  	s18 =	sld [smem:$0x3FDB];
	_ =	sdelay $0x1  }
0x99: {  	s19 =	simm.s32 $_scs_section_size  }
0x9a: {  	s4 =	simm.s32 $_size__tile_overlayer_lowered;
	s5 =	simm.s32 $_tile_overlayer_lowered  }
0x9b: {  	s22 =	simm.s32 $0x1BFF;
	s21 =	sshll.u32 s5, $0x1;
	s2 =	sadd.s32 s19, s18  }
0x9c: {  	s6 =	simm.s32 $0x0;
	s20 =	sshll.u32 s4, $0x1;
	s4 =	sadd.s32 s21, s2  }
0x9d: {  	[timem:s6], [sflag:s22] =	dma.local [hbm:s4], s20  }
0x9e: {  	_ =	swait.ge [sflag:s22], s20  }
0x9f: {  	s3 =	ssub.s32 $0x0, s20;
	[sflag:s22] =	ssyncset.done $0x0  }
0xa0: {  	[sflag:s22] =	ssyncadd.s32 s3;
	_ =	sdelay $0x1  }
0xa1: {  	s23 =	simm.s32 $0x1B8B  }
0xa2: {  	_ =	swait.ge [sflag:s23], $0x1  }
0xa3: {  	[sflag:s23] =	ssyncset.done $0x0  }
0xa4: {  	s25 =	simm.s32 $0x1B8E;
	s24 =	sld [smem:$0x3FFE];
	[sflag:s23] =	ssyncadd.s32 $0xFFFFFFFF  }
0xa5: {  	s26 =	simm.s32 $execute0_lowered;
	[smem:$0x3FD2] =	sst s25  }
0xa6: {  	s4 =	sshll.u32 s26, $0x1;
	_ =	strace $0x80000049;
	[dreg:$0x1] =	wrdreg $0xFFFFFFFF  }
0xa7: {  	s28 =	simm.s32 $_size_execute0_lowered;
	s2 =	sadd.s32 s2, s4;
	[dreg:$0x0] =	wrdreg $0x0  }
0xa8: {  	s4 =	sshll.u32 s28, $0x1;
	[dreg:$0x2] =	wrdreg s2  }
0xa9: {  	[dreg:$0x3] =	wrdreg s4  }
0xaa: {  	[dreg:$0x4] =	wrdreg $0xC0  }
0xab: {  	_ =	task [dreg:s6], $0x5FFFF  }
0xac: {  	[dreg:$0x1] =	wrdreg $0xFFFFFFFF  }
0xad: {  	[dreg:$0x0] =	wrdreg $0x60  }
0xae: {  	[dreg:$0x2] =	wrdreg s24  }
0xaf: {  	[dreg:$0x3] =	wrdreg $0x70000  }
0xb0: {  	[dreg:$0x4] =	wrdreg $0x98000  }
0xb1: {  	[dreg:$0x5] =	wrdreg $0x9  }
0xb2: {  	_ =	task.clear_ibuf [dreg:s6], $0x6FFFF;
	_ =	strace $0x90000049  }
0xb3: {  	s29 =	simm.s32 $0x9;
	_ =	strace $0x8000004B  }
0xb4: {  	_ =	swait.ge [sflag:s29], $0x1  }
0xb5: {  	[sflag:s29] =	ssyncadd.s32 $0xFFFFFFFF  }
0xb6: {  	_ =	strace $0x9000004B  }
0xb7: {  	_ =	sfence  }
0xb8: {  	s30 =	sld [smem:$0x0];
	_ =	sdelay $0x2  }
0xb9: {  	s31 =	sshll.u32 s1, $0xD;
	s1 =	sshrl.u32 s1, $0x2  }
0xba: {  	s3 =	sand.u32 $0x4000, s31;
	s1 =	sadd.s32 s1, s30  }
0xbb: {  	s0 =	sor.u32 s3, s0;
	s1 =	sshll.u32 s1, $0x11  }
0xbc: {  	s0 =	sor.u32 s1, s0  }
0xbd: {  	s0 =	sadd.s32 $0x8F2B, s0  }
0xbe: {  	[sflag:s0] =	ssyncadd.remote.s32 $0x1  }
0xbf: {  	_ =	sfence.sel $0xFFFF  }
0xc0: {  	[dreg:$0x0] =	wrdreg $0xFFFFFFFF;
	(pc) =	sbr.abs _section_cstart, $3  }
0xc1: {  	[dreg:$0x1] =	wrdreg $0xFFFFFFFF  }
0xc2: {  	_ =	task.clear_ibuf [dreg:s6], $0x2FFFF;
	_ =	strace $0x9FFFFFFF  }
0xc3: {  	(tm) =	ssettm $0x7FFFFFFF  }
tec
execute0_lowered:
.L_overlay_start_1:
0x0: {  	(tag) =	ssettag $0x1  }
0x1: {  	s1 =	rddreg [dreg:$0x0]  }
0x2: {  	s0 =	rddreg [dreg:$0x1];
	s3 =	srdreg.scid  }
0x3: {  	s7 =	stileid.u32;
	s2 =	rddreg [dreg:$0x2];
	s14 =	simm.s32 $0x80  }
0x4: {  	s15 =	simm.s32 $0x5000;
	s16 =	simm.s32 $0x5800;
	s18 =	simm.s32 $0x6000  }
0x5: {  	s20 =	simm.s32 $0x6800;
	s21 =	simm.s32 $0x1;
	s22 =	simm.s32 $0x2  }
0x6: {  	s23 =	simm.s32 $0x3;
	s24 =	simm.s32 $0x4;
	s25 =	simm.s32 $0x5  }
0x7: {  	s26 =	simm.s32 $0x6;
	s28 =	simm.s32 $0x7;
	s29 =	simm.s32 $0x8  }
0x8: {  	s13 =	simm.s32 $0x4F80;
	s17 =	simm.s32 $0x0;
	s4 =	sand.u32 $0x1, s3  }
0x9: {  	s5 =	sshll.u32 s7, $0x1;
	s3 =	simm.s32 $0x0;
	p0 =	sne.s32 s7, $0x0  }
0xa: {  	s5 =	sor.u32 s4, s5;
	[smem:$0x7FF] =	sst s3;
	s6 =	smul.u32 $0x5000, s4  }
0xb: {  	s8 =	ssub.s32 $0x2, s4;
	s4 =	sadd.s32 $0x16C00, s1;
	s12 =	smul.u32 $0x500, s5  }
0xc: {  	_ =	strace $0x8000004A;
	s10 =	sshrl.u32 s8, $0x1;
	s5 =	sadd.s32 $0x1BC00, s1  }
0xd: {  	s11 =	sadd.s32 s6, s1;
	s8 =	ssub.s32 s8, s10;
	s10 =	sshrl.u32 @!p0 s2, $0x3  }
0xe: {  	s9 =	sadd.s32 s12, s1;
	s1 =	sadd.s32 $0xCC00, s1;
	s7 =	sadd.s32 $0x20C00, s11  }
0xf: {  	s8 =	smax.u32 s8, $0x1;
	s11 =	simm.s32 $0x9;
	s6 =	sadd.s32 $0x2C00, s9  }
0x10: {  	s9 =	sshrl.u32 @!p0 s0, $0x3;
	s12 =	sadd.s32 s12, s1;
	s1 =	simm.s32 $0x4F00  }
.LBB2_1:
0x11: {  	s19 =	simm.s32 @!p0 $0x1C09;
	s30 =	simm.s32 @!p0 $0x9  }
0x12: {  	[spmem:s9], [sflag:s19] =	dma.local @!p0 [hbm:s5], $0x5000  }
0x13: {  	_ =	swait.ge @!p0 [sflag:s30], $0x5000  }
0x14: {  	[sflag:s30] =	ssyncset.done @!p0 $0x0  }
0x15: {  	[sflag:s30] =	ssyncadd.s32 @!p0 $0xFFFFB000  }
0x16: {  	[spmem:s10], [sflag:s19] =	dma.local @!p0 [hbm:s4], $0x5000  }
0x17: {  	_ =	swait.ge @!p0 [sflag:s30], $0x5000  }
0x18: {  	[sflag:s30] =	ssyncset.done @!p0 $0x0  }
0x19: {  	[sflag:s30] =	ssyncadd.s32 @!p0 $0xFFFFB000  }
0x1a: {  	[tilespmem:s3], [sflag:$0x9] =	stream.linear.gather [hbm4b:s6+s3], $0x2800, $0x38;
	[tilespmem:$0xC000] =	vst v63  }
0x1b: {  	_ =	swait.ge [sflag:s11], $0x2800  }
0x1c: {  	[sflag:s11] =	ssyncset.done $0x0  }
0x1d: {  	s31 =	simm.s32 $0x2800;
	[sflag:s11] =	ssyncadd.s32 $0xFFFFD800  }
0x1e: {  	[tilespmem:s31], [sflag:$0x9] =	stream.linear.gather [hbm4b:s12+s3], $0x2800, $0x38;
	[tilespmem:$0xC000] =	vst v63  }
0x1f: {  	_ =	swait.ge [sflag:s11], $0x2800  }
0x20: {  	[sflag:s11] =	ssyncset.done $0x0  }
0x21: {  	[sflag:s11] =	ssyncadd.s32 $0xFFFFD800  }
0x22: {  	[bflag:$0x0] =	sbarrier.arrive $0xFFFF  }
0x23: {  	[tilespmem:s15], [sflag:$0x1] =	stream.indirect.gather [spmem:s2], $0x10, s3, s14, $0xb8;
	[tilespmem:$0xC000] =	vst v63  }
0x24: {  	_ = 	snop  }
0x25: {  	[tilespmem:s16], [sflag:$0x2] =	stream.indirect.gather [spmem:s2], $0x10, s14, s14, $0xb8;
	[tilespmem:$0xC000] =	vst v63  }
0x26: {  	s31 =	simm.s32 $0x100  }
0x27: {  	[tilespmem:s18], [sflag:$0x3] =	stream.indirect.gather [spmem:s2], $0x10, s31, s14, $0xb8;
	[tilespmem:$0xC000] =	vst v63  }
0x28: {  	s31 =	simm.s32 $0x180  }
0x29: {  	[tilespmem:s20], [sflag:$0x4] =	stream.indirect.gather [spmem:s2], $0x10, s31, s14, $0xb8;
	[tilespmem:$0xC000] =	vst v63  }
0x2a: {  	_ =	swait.ge [sflag:s21], $0x800  }
0x2b: {  	[sflag:s21] =	ssyncset.done $0x0  }
0x2c: {  	s31 =	simm.s32 $0x2800;
	[sflag:s21] =	ssyncadd.s32 $0xFFFFF800  }
0x2d: {  	[spmem:s0] =	stream.indirect.scatter.add.f32 [tilespmem:s15], [sflag:$0x5], $0x10, s31, s14, $0xb8;
	[tilespmem:$0xC000] =	vst v63  }
0x2e: {  	_ =	swait.ge [sflag:s22], $0x800  }
0x2f: {  	[sflag:s22] =	ssyncset.done $0x0  }
0x30: {  	s31 =	simm.s32 $0x2880;
	[sflag:s22] =	ssyncadd.s32 $0xFFFFF800  }
0x31: {  	[spmem:s0] =	stream.indirect.scatter.add.f32 [tilespmem:s16], [sflag:$0x6], $0x10, s31, s14, $0xb8;
	[tilespmem:$0xC000] =	vst v63  }
0x32: {  	_ =	swait.ge [sflag:s23], $0x800  }
0x33: {  	[sflag:s23] =	ssyncset.done $0x0  }
0x34: {  	s31 =	simm.s32 $0x2900;
	[sflag:s23] =	ssyncadd.s32 $0xFFFFF800  }
0x35: {  	[spmem:s0] =	stream.indirect.scatter.add.f32 [tilespmem:s18], [sflag:$0x7], $0x10, s31, s14, $0xb8;
	[tilespmem:$0xC000] =	vst v63  }
0x36: {  	_ =	swait.ge [sflag:s24], $0x800  }
0x37: {  	[sflag:s24] =	ssyncset.done $0x0  }
0x38: {  	s31 =	simm.s32 $0x2980;
	[sflag:s24] =	ssyncadd.s32 $0xFFFFF800  }
0x39: {  	[spmem:s0] =	stream.indirect.scatter.add.f32 [tilespmem:s20], [sflag:$0x8], $0x10, s31, s14, $0xb8;
	[tilespmem:$0xC000] =	vst v63  }
0x3a: {  	_ =	swait.ge [sflag:s25], $0x800  }
0x3b: {  	[sflag:s25] =	ssyncset.done $0x0  }
0x3c: {  	s31 =	simm.s32 $0x200;
	[sflag:s25] =	ssyncadd.s32 $0xFFFFF800  }
0x3d: {  	[tilespmem:s15], [sflag:$0x1] =	stream.indirect.gather [spmem:s2], $0x10, s31, s14, $0xb8;
	[tilespmem:$0xC000] =	vst v63  }
0x3e: {  	_ =	swait.ge [sflag:s26], $0x800  }
0x3f: {  	[sflag:s26] =	ssyncset.done $0x0  }
0x40: {  	s31 =	simm.s32 $0x280;
	[sflag:s26] =	ssyncadd.s32 $0xFFFFF800  }
0x41: {  	[tilespmem:s16], [sflag:$0x2] =	stream.indirect.gather [spmem:s2], $0x10, s31, s14, $0xb8;
	[tilespmem:$0xC000] =	vst v63  }
0x42: {  	_ =	swait.ge [sflag:s28], $0x800  }
0x43: {  	[sflag:s28] =	ssyncset.done $0x0  }
0x44: {  	s31 =	simm.s32 $0x300;
	[sflag:s28] =	ssyncadd.s32 $0xFFFFF800  }
0x45: {  	[tilespmem:s18], [sflag:$0x3] =	stream.indirect.gather [spmem:s2], $0x10, s31, s14, $0xb8;
	[tilespmem:$0xC000] =	vst v63  }
0x46: {  	_ =	swait.ge [sflag:s29], $0x800  }
0x47: {  	[sflag:s29] =	ssyncset.done $0x0  }
0x48: {  	s19 =	simm.s32 $0x800;
	s30 =	simm.s32 $0x380;
	[sflag:s29] =	ssyncadd.s32 $0xFFFFF800  }
.LBB2_2:
0x49: {  	[tilespmem:s20], [sflag:$0x4] =	stream.indirect.gather [spmem:s2], $0x10, s30, s14, $0xb8;
	[tilespmem:$0xC000] =	vst v63  }
0x4a: {  	s30 =	smov.u32 s19  }
0x4b: {  	p1 =	sne.s32 s19, $0x9000;
	s19 =	sadd.s32 $0x800, s19;
	_ =	swait.ge [sflag:s21], $0x800  }
0x4c: {  	s30 =	sshra.s32 s30, $0x2;
	[sflag:s21] =	ssyncset.done $0x0  }
0x4d: {  	s31 =	sadd.s32 $0x2800, s30;
	[sflag:s21] =	ssyncadd.s32 $0xFFFFF800  }
0x4e: {  	[spmem:s0] =	stream.indirect.scatter.add.f32 [tilespmem:s15], [sflag:$0x5], $0x10, s31, s14, $0xb8;
	[tilespmem:$0xC000] =	vst v63  }
0x4f: {  	_ =	swait.ge [sflag:s22], $0x800  }
0x50: {  	[sflag:s22] =	ssyncset.done $0x0  }
0x51: {  	s31 =	sadd.s32 $0x2880, s30;
	[sflag:s22] =	ssyncadd.s32 $0xFFFFF800  }
0x52: {  	[spmem:s0] =	stream.indirect.scatter.add.f32 [tilespmem:s16], [sflag:$0x6], $0x10, s31, s14, $0xb8;
	[tilespmem:$0xC000] =	vst v63  }
0x53: {  	_ =	swait.ge [sflag:s23], $0x800  }
0x54: {  	[sflag:s23] =	ssyncset.done $0x0  }
0x55: {  	s31 =	sadd.s32 $0x2900, s30;
	[sflag:s23] =	ssyncadd.s32 $0xFFFFF800  }
0x56: {  	[spmem:s0] =	stream.indirect.scatter.add.f32 [tilespmem:s18], [sflag:$0x7], $0x10, s31, s14, $0xb8;
	[tilespmem:$0xC000] =	vst v63  }
0x57: {  	_ =	swait.ge [sflag:s24], $0x800  }
0x58: {  	[sflag:s24] =	ssyncset.done $0x0  }
0x59: {  	s31 =	sadd.s32 $0x2980, s30;
	[sflag:s24] =	ssyncadd.s32 $0xFFFFF800  }
0x5a: {  	[spmem:s0] =	stream.indirect.scatter.add.f32 [tilespmem:s20], [sflag:$0x8], $0x10, s31, s14, $0xb8;
	[tilespmem:$0xC000] =	vst v63  }
0x5b: {  	_ =	swait.ge [sflag:s25], $0x800  }
0x5c: {  	[sflag:s25] =	ssyncset.done $0x0  }
0x5d: {  	s31 =	sadd.s32 $0x200, s30;
	[sflag:s25] =	ssyncadd.s32 $0xFFFFF800  }
0x5e: {  	[tilespmem:s15], [sflag:$0x1] =	stream.indirect.gather [spmem:s2], $0x10, s31, s14, $0xb8;
	[tilespmem:$0xC000] =	vst v63  }
0x5f: {  	_ =	swait.ge [sflag:s26], $0x800  }
0x60: {  	[sflag:s26] =	ssyncset.done $0x0  }
0x61: {  	s31 =	sadd.s32 $0x280, s30;
	[sflag:s26] =	ssyncadd.s32 $0xFFFFF800  }
0x62: {  	[tilespmem:s16], [sflag:$0x2] =	stream.indirect.gather [spmem:s2], $0x10, s31, s14, $0xb8;
	[tilespmem:$0xC000] =	vst v63  }
0x63: {  	_ =	swait.ge [sflag:s28], $0x800  }
0x64: {  	[sflag:s28] =	ssyncset.done $0x0  }
.Ltmp0:
0x65: {  	s31 =	sadd.s32 $0x300, s30;
	[sflag:s28] =	ssyncadd.s32 $0xFFFFF800;
	(pc) =	sbr.rel @p1 .LBB2_2-.Ltmp0, $4  }
0x66: {  	[tilespmem:s18], [sflag:$0x3] =	stream.indirect.gather [spmem:s2], $0x10, s31, s14, $0xb8;
	[tilespmem:$0xC000] =	vst v63  }
0x67: {  	_ =	swait.ge [sflag:s29], $0x800  }
0x68: {  	[sflag:s29] =	ssyncset.done $0x0  }
0x69: {  	s30 =	sadd.s32 $0x380, s30;
	[sflag:s29] =	ssyncadd.s32 $0xFFFFF800  }
0x6a: {  	[tilespmem:s20], [sflag:$0x4] =	stream.indirect.gather [spmem:s2], $0x10, s30, s14, $0xb8;
	[tilespmem:$0xC000] =	vst v63  }
0x6b: {  	_ =	swait.ge [sflag:s21], $0x800  }
0x6c: {  	[sflag:s21] =	ssyncset.done $0x0  }
0x6d: {  	s19 =	simm.s32 $0x4E00;
	[sflag:s21] =	ssyncadd.s32 $0xFFFFF800  }
0x6e: {  	[spmem:s0] =	stream.indirect.scatter.add.f32 [tilespmem:s15], [sflag:$0x5], $0x10, s19, s14, $0xb8;
	[tilespmem:$0xC000] =	vst v63  }
0x6f: {  	_ =	swait.ge [sflag:s22], $0x800  }
0x70: {  	[sflag:s22] =	ssyncset.done $0x0  }
0x71: {  	s31 =	simm.s32 $0x4E80;
	[sflag:s22] =	ssyncadd.s32 $0xFFFFF800  }
0x72: {  	[spmem:s0] =	stream.indirect.scatter.add.f32 [tilespmem:s16], [sflag:$0x6], $0x10, s31, s14, $0xb8;
	[tilespmem:$0xC000] =	vst v63  }
0x73: {  	_ =	swait.ge [sflag:s23], $0x800  }
0x74: {  	[sflag:s23] =	ssyncset.done $0x0  }
0x75: {  	[sflag:s23] =	ssyncadd.s32 $0xFFFFF800  }
0x76: {  	[spmem:s0] =	stream.indirect.scatter.add.f32 [tilespmem:s18], [sflag:$0x7], $0x10, s1, s14, $0xb8;
	[tilespmem:$0xC000] =	vst v63  }
0x77: {  	_ =	swait.ge [sflag:s24], $0x800  }
0x78: {  	[sflag:s24] =	ssyncset.done $0x0  }
0x79: {  	[sflag:s24] =	ssyncadd.s32 $0xFFFFF800  }
0x7a: {  	[spmem:s0] =	stream.indirect.scatter.add.f32 [tilespmem:s20], [sflag:$0x8], $0x10, s13, s14, $0xb8;
	[tilespmem:$0xC000] =	vst v63  }
0x7b: {  	_ =	swait.ge [sflag:s25], $0x800  }
0x7c: {  	[sflag:s25] =	ssyncset.done $0x0  }
0x7d: {  	[sflag:s25] =	ssyncadd.s32 $0xFFFFF800  }
0x7e: {  	_ =	swait.ge [sflag:s26], $0x800  }
0x7f: {  	[sflag:s26] =	ssyncset.done $0x0  }
0x80: {  	[sflag:s26] =	ssyncadd.s32 $0xFFFFF800  }
0x81: {  	_ =	swait.ge [sflag:s28], $0x800  }
0x82: {  	[sflag:s28] =	ssyncset.done $0x0  }
0x83: {  	[sflag:s28] =	ssyncadd.s32 $0xFFFFF800  }
0x84: {  	_ =	swait.ge [sflag:s29], $0x800  }
0x85: {  	[sflag:s29] =	ssyncset.done $0x0  }
0x86: {  	s17 =	sadd.s32 $0x1, s17;
	[sflag:s29] =	ssyncadd.s32 $0xFFFFF800  }
0x87: {  	p1 =	sne.s32 s17, s8;
	s19 =	simm.s32 @!p0 $0x1C09;
	[bflag:$0x0] =	sbarrier.arrive $0xFFFF  }
0x88: {  	[hbm:s7], [sflag:s19] =	dma.local @!p0 [spmem:s9], $0x5000  }
.Ltmp1:
0x89: {  	_ = 	snop;
	(pc) =	sbr.rel @p1 .LBB2_1-.Ltmp1, $4  }
0x8a: {  	s19 =	simm.s32 @!p0 $0x9  }
0x8b: {  	_ =	swait.ge @!p0 [sflag:s19], $0x5000  }
0x8c: {  	[sflag:s19] =	ssyncset.done @!p0 $0x0  }
0x8d: {  	[sflag:s19] =	ssyncadd.s32 @!p0 $0xFFFFB000  }
0x8e: {  	_ =	sfence.sel $0x180000  }
0x8f: {  	[bflag:$0x0] =	sbarrier.arrive $0xFFFF  }
0x90: {  	_ =	strace $0x9000004A  }
0x91: {  	[bflag:$0x2] =	sbarrier.arrive $0xFFFF  }
0x92: {  	s0 =	rddreg [dreg:$0x3]  }
0x93: {  	s0 =	sadd.s32 @!p0 $0x100000, s0  }
0x94: {  	[sflag:s0] =	ssyncadd.tile.s32 @!p0 $0x1;
	_ =	shalt  }
.Lfunc_end2:
_tile_overlayer_lowered:
.L_overlay_start_2:
0x95: {  	(tag) =	ssettag $0x2  }
0x96: {  	s0 =	rddreg [dreg:$0x0];
	s2 =	stileid.u32  }
0x97: {  	s1 =	rddreg [dreg:$0x1];
	p0 =	sne.s32 s2, $0x0  }
0x98: {  	s3 =	rddreg [dreg:$0x2];
	[bflag:$0x3] =	sbarrier.arrive $0xFFFF;
	s2 =	simm.s32 @!p0 $0x1C09  }
0x99: {  	[timem:s3], [sflag:s2] =	dma.local @!p0 [hbm:s0], s1  }
0x9a: {  	s0 =	simm.s32 @!p0 $0x9  }
0x9b: {  	_ =	swait.ge @!p0 [sflag:s0], s1  }
0x9c: {  	s1 =	ssub.s32 @!p0 $0x0, s1;
	[sflag:s0] =	ssyncset.done @!p0 $0x0  }
0x9d: {  	[sflag:s0] =	ssyncadd.s32 @!p0 s1  }
0x9e: {  	[bflag:$0x3] =	sbarrier.arrive $0xFFFF  }
0x9f: {  	_ =	shalt  }

// kernel: kernel.15.cloned.1.call-start
scs
__scs_entry_jumppad:
0x0: {  	(pc) =	sbr.rel $0x88, $3  }
0x1: {  	(tag) =	ssettag $0x0;
	lr =	simm.s32 $0x1  }
0x2: {  	[smem:$0x3F96] =	sst lr;
	_ =	strace $0xD0000000  }
0x3: {  	_ = 	snop  }
0x4: {  	_ = 	snop  }
0x5: {  	_ = 	snop  }
0x6: {  	_ = 	snop  }
0x7: {  	_ = 	snop  }
__scs_overlays_trampoline_lowered:
0x8: {  	[smem:$0x3FA5] =	sst s0  }
0x9: {  	[smem:$0x3FA6] =	sst s1  }
0xa: {  	[smem:$0x3FA7] =	sst s2  }
0xb: {  	[smem:$0x3FA8] =	sst s3  }
0xc: {  	[smem:$0x3FA9] =	sst s4  }
0xd: {  	[smem:$0x3FAA] =	sst s5  }
0xe: {  	[smem:$0x3FAB] =	sst s6  }
0xf: {  	[smem:$0x3FAC] =	sst s7  }
0x10: {  	[smem:$0x3FAD] =	sst s8  }
0x11: {  	[smem:$0x3FAE] =	sst s9;
	s0 =	simm.s32 @!p0 $0x0  }
0x12: {  	s1 =	sld [smem:$0x3F94];
	s0 =	simm.s32 @p0 $0x1  }
0x13: {  	[smem:$0x3FAF] =	sst s0;
	s0 =	simm.s32 @!p1 $0x0  }
0x14: {  	s2 =	sld [smem:$0x3F93];
	s0 =	simm.s32 @p1 $0x1  }
0x15: {  	[smem:$0x3FB0] =	sst s0;
	s0 =	simm.s32 @!p2 $0x0  }
0x16: {  	s3 =	sld [smem:$0x3FDB];
	s0 =	simm.s32 @p2 $0x1  }
0x17: {  	s4 =	simm.s32 $0x1BF5;
	[smem:$0x3FB2] =	sst s0  }
0x18: {  	s0 =	sld [smem:$0x3F95];
	_ =	swait.ge [sflag:s4], $0x0  }
0x19: {  	s7 =	sld [smem:$0x3F96]  }
0x1a: {  	s8 =	sadd.s32 $0xFFFFE003, lr  }
0x1b: {  	s9 =	sadd.s32 $0xFFFFFEF7, lr;
	s5 =	simm.s32 $0xFFFFFFFF;
	p2 =	slt.u32 s8, $0xFFFFF086  }
0x1c: {  	p1 =	slt.u32 s9, $0xF7A;
	s5 =	simm.s32 @!p2 $0x0  }
0x1d: {  	s5 =	simm.s32 @p1 $0x1;
	p0 =	seq.s32 s7, s2  }
0x1e: {  	s7 =	smul.u32 @!p0 $0xF7A, s2;
	p2 =	seq.s32 @!p0 s5, $0x0  }
0x1f: {  	s9 =	smul.u32 $0xF7A, s1;
	s8 =	simm.s32 @!p0 $0x1BF5;
	p2 =	por !p2, p0  }
0x20: {  	[sflag:s8] =	ssyncset.s32 @!p0 $0xFFFFF086;
	s6 =	sadd.s32 @!p0 s3, s7;
	s7 =	simm.s32 @!p0 $0x108  }
0x21: {  	s3 =	sadd.s32 s3, s9;
	s6 =	sadd.s32 @!p0 $0x88, s6;
	s7 =	simm.s32 @p2 $0x1082  }
0x22: {  	[simem:s7], [sflag:s8] =	dma.local @!p0 [hbm:s6], $0xF7A  }
0x23: {  	s9 =	sor.u32 $0xD0000000, s2;
	s6 =	simm.s32 $0x108;
	_ =	swait.ge @!p0 [sflag:s8], $0x0  }
0x24: {  	s3 =	sadd.s32 $0x88, s3;
	s6 =	simm.s32 @!p1 $0x1082;
	[sflag:s4] =	ssyncset.s32 $0xFFFFF086  }
0x25: {  	[simem:s6], [sflag:s4] =	dma.local [hbm:s3], $0xF7A  }
0x26: {  	[smem:$0x3F96] =	sst s1;
	(tag) =	ssettag s2;
	_ =	strace s9  }
0x27: {  	s1 =	sld [smem:$0x3FA6]  }
0x28: {  	s2 =	sld [smem:$0x3FA7]  }
0x29: {  	s4 =	sld [smem:$0x3FA9]  }
0x2a: {  	p0 =	seq.s32 s5, $0x0;
	s5 =	sld [smem:$0x3FAA]  }
0x2b: {  	s6 =	sld [smem:$0x3FAB]  }
0x2c: {  	s7 =	sld [smem:$0x3FAC]  }
0x2d: {  	s3 =	simm.s32 $0x108;
	s8 =	sld [smem:$0x3FAD]  }
0x2e: {  	s3 =	simm.s32 @!p0 $0x1082;
	s9 =	sld [smem:$0x3FAE]  }
0x2f: {  	lr =	sadd.s32 s0, s3;
	s0 =	sld [smem:$0x3FA5]  }
0x30: {  	s3 =	sld [smem:$0x3FA8]  }
0x31: {  	[smem:$0x3FB1] =	sst s10  }
0x32: {  	s10 =	sld [smem:$0x3FAF];
	_ =	sdelay $0x3  }
0x33: {  	p0 =	seq.s32 s10, $0x1;
	s10 =	sld [smem:$0x3FB1];
	_ =	sdelay $0x3  }
0x34: {  	[smem:$0x3FB1] =	sst s10  }
0x35: {  	s10 =	sld [smem:$0x3FB0];
	_ =	sdelay $0x3  }
0x36: {  	p1 =	seq.s32 s10, $0x1;
	s10 =	sld [smem:$0x3FB1];
	_ =	sdelay $0x3  }
0x37: {  	[smem:$0x3FB1] =	sst s10  }
0x38: {  	s10 =	sld [smem:$0x3FB2]  }
0x39: {  	_ = 	snop;
	(pc) =	sbr.ind lr, $3  }
0x3a: {  	_ = 	snop  }
0x3b: {  	_ = 	snop  }
0x3c: {  	p2 =	seq.s32 s10, $0x1;
	s10 =	sld [smem:$0x3FB1]  }
0x3d: {  	_ =	shalt  }
0x3e: {  	_ =	shalt  }
0x3f: {  	_ =	shalt  }
0x40: {  	_ =	shalt  }
0x41: {  	_ =	shalt  }
0x42: {  	_ =	shalt  }
0x43: {  	_ =	shalt  }
0x44: {  	_ =	shalt  }
0x45: {  	_ =	shalt  }
0x46: {  	_ =	shalt  }
0x47: {  	_ =	shalt  }
0x48: {  	_ =	shalt  }
0x49: {  	_ =	shalt  }
0x4a: {  	_ =	shalt  }
0x4b: {  	_ =	shalt  }
0x4c: {  	_ =	shalt  }
0x4d: {  	_ =	shalt  }
0x4e: {  	_ =	shalt  }
0x4f: {  	_ =	shalt  }
0x50: {  	_ =	shalt  }
0x51: {  	_ =	shalt  }
0x52: {  	_ =	shalt  }
0x53: {  	_ =	shalt  }
0x54: {  	_ =	shalt  }
0x55: {  	_ =	shalt  }
0x56: {  	_ =	shalt  }
0x57: {  	_ =	shalt  }
0x58: {  	_ =	shalt  }
0x59: {  	_ =	shalt  }
0x5a: {  	_ =	shalt  }
0x5b: {  	_ =	shalt  }
0x5c: {  	_ =	shalt  }
0x5d: {  	_ =	shalt  }
0x5e: {  	_ =	shalt  }
0x5f: {  	_ =	shalt  }
0x60: {  	_ =	shalt  }
0x61: {  	_ =	shalt  }
0x62: {  	_ =	shalt  }
0x63: {  	_ =	shalt  }
0x64: {  	_ =	shalt  }
0x65: {  	_ =	shalt  }
0x66: {  	_ =	shalt  }
0x67: {  	_ =	shalt  }
0x68: {  	_ =	shalt  }
0x69: {  	_ =	shalt  }
0x6a: {  	_ =	shalt  }
0x6b: {  	_ =	shalt  }
0x6c: {  	_ =	shalt  }
0x6d: {  	_ =	shalt  }
0x6e: {  	_ =	shalt  }
0x6f: {  	_ =	shalt  }
0x70: {  	_ =	shalt  }
0x71: {  	_ =	shalt  }
0x72: {  	_ =	shalt  }
0x73: {  	_ =	shalt  }
0x74: {  	_ =	shalt  }
0x75: {  	_ =	shalt  }
0x76: {  	_ =	shalt  }
0x77: {  	_ =	shalt  }
0x78: {  	_ =	shalt  }
0x79: {  	_ =	shalt  }
0x7a: {  	_ =	shalt  }
0x7b: {  	_ =	shalt  }
0x7c: {  	_ =	shalt  }
0x7d: {  	_ =	shalt  }
0x7e: {  	_ =	shalt  }
0x7f: {  	_ =	shalt  }
0x80: {  	_ =	shalt  }
0x81: {  	_ =	shalt  }
0x82: {  	_ =	shalt  }
0x83: {  	_ =	shalt  }
0x84: {  	_ =	shalt  }
0x85: {  	_ =	shalt  }
0x86: {  	_ =	shalt  }
0x87: {  	_ =	shalt  }
.Lfunc_end0:
.L_simem_size_0:
called_computation.2_lowered:
.L_overlay_start_0:
0x88: {  	s2 =	sld [smem:$0x3FD9]  }
0x89: {  	s3 =	sld [smem:$0x3FFE];
	_ =	sdelay $0x1  }
0x8a: {  	s1 =	srdreg.scid  }
0x8b: {  	s0 =	sand.u32 $0x1, s1  }
0x8c: {  	s17 =	sshll.u32 s0, $0xA;
	s2 =	sadd.s32 s3, s2  }
0x8d: {  	s2 =	sadd.s32 s2, s17  }
0x8e: {  	[smem:$0x3FBD] =	sst s2  }
0x8f: {  	_ = 	snop  }
0x90: {  	s2 =	sld [smem:$0x3FD0];
	(tm) =	ssettm $0x1  }
0x91: {  	s18 =	sld [smem:$0x3FFB];
	_ =	sdelay $0x3  }
0x92: {  	_ =	strace s18  }
0x93: {  	s3 =	sld [smem:$0x3FFC];
	_ =	sdelay $0x3  }
0x94: {  	_ =	strace s3  }
0x95: {  	s3 =	sld [smem:$0x3FFD];
	_ =	sdelay $0x3  }
0x96: {  	_ =	strace s3  }
0x97: {  	_ =	strace $0x8FFFFFFF  }
0x98: {  	s19 =	sld [smem:$0x3FDB];
	_ =	sdelay $0x1  }
0x99: {  	s4 =	simm.s32 $_scs_section_size  }
0x9a: {  	s5 =	simm.s32 $_size__tile_overlayer_lowered;
	s6 =	simm.s32 $_tile_overlayer_lowered  }
0x9b: {  	s22 =	simm.s32 $0x1BFF;
	s21 =	sshll.u32 s6, $0x1;
	s3 =	sadd.s32 s4, s19  }
0x9c: {  	s7 =	simm.s32 $0x0;
	s20 =	sshll.u32 s5, $0x1;
	s5 =	sadd.s32 s21, s3  }
0x9d: {  	[timem:s7], [sflag:s22] =	dma.local [hbm:s5], s20  }
0x9e: {  	_ =	swait.ge [sflag:s22], s20  }
0x9f: {  	s4 =	ssub.s32 $0x0, s20;
	[sflag:s22] =	ssyncset.done $0x0  }
0xa0: {  	[sflag:s22] =	ssyncadd.s32 s4;
	_ =	sdelay $0x1  }
0xa1: {  	s23 =	simm.s32 $0x1B8B  }
0xa2: {  	_ =	swait.ge [sflag:s23], $0x1  }
0xa3: {  	[sflag:s23] =	ssyncset.done $0x0  }
0xa4: {  	s25 =	simm.s32 $0x1B8E;
	s24 =	sld [smem:$0x3FFE];
	[sflag:s23] =	ssyncadd.s32 $0xFFFFFFFF  }
0xa5: {  	s26 =	simm.s32 $execute0_lowered;
	[smem:$0x3FD2] =	sst s25  }
0xa6: {  	s5 =	sshll.u32 s26, $0x1;
	_ =	strace $0x8000004C;
	[dreg:$0x1] =	wrdreg $0xFFFFFFFF  }
0xa7: {  	s28 =	simm.s32 $_size_execute0_lowered;
	s3 =	sadd.s32 s3, s5;
	[dreg:$0x0] =	wrdreg $0x0  }
0xa8: {  	s5 =	sshll.u32 s28, $0x1;
	[dreg:$0x2] =	wrdreg s3  }
0xa9: {  	[dreg:$0x3] =	wrdreg s5  }
0xaa: {  	[dreg:$0x4] =	wrdreg $0xC0  }
0xab: {  	_ =	task [dreg:s7], $0x5FFFF  }
0xac: {  	[dreg:$0x1] =	wrdreg $0xFFFFFFFF  }
0xad: {  	[dreg:$0x0] =	wrdreg $0x60  }
0xae: {  	[dreg:$0x2] =	wrdreg s24  }
0xaf: {  	[dreg:$0x3] =	wrdreg s2  }
0xb0: {  	[dreg:$0x4] =	wrdreg $0x29400  }
0xb1: {  	[dreg:$0x5] =	wrdreg $0x29C00  }
0xb2: {  	[dreg:$0x6] =	wrdreg $0x9  }
0xb3: {  	_ =	task.clear_ibuf [dreg:s7], $0x7FFFF;
	_ =	strace $0x9000004C  }
0xb4: {  	s29 =	simm.s32 $0x9;
	_ =	strace $0x8000004E  }
0xb5: {  	_ =	swait.ge [sflag:s29], $0x1  }
0xb6: {  	[sflag:s29] =	ssyncadd.s32 $0xFFFFFFFF  }
0xb7: {  	_ =	strace $0x9000004E  }
0xb8: {  	_ =	sfence  }
0xb9: {  	s30 =	sld [smem:$0x0];
	_ =	sdelay $0x2  }
0xba: {  	s31 =	sshll.u32 s1, $0xD;
	s1 =	sshrl.u32 s1, $0x2  }
0xbb: {  	s3 =	sand.u32 $0x4000, s31;
	s1 =	sadd.s32 s1, s30  }
0xbc: {  	s0 =	sor.u32 s3, s0;
	s1 =	sshll.u32 s1, $0x11  }
0xbd: {  	s0 =	sor.u32 s1, s0  }
0xbe: {  	s0 =	sadd.s32 $0x8F2B, s0  }
0xbf: {  	[sflag:s0] =	ssyncadd.remote.s32 $0x1  }
0xc0: {  	_ =	sfence.sel $0xFFFF  }
0xc1: {  	[dreg:$0x0] =	wrdreg $0xFFFFFFFF;
	(pc) =	sbr.abs _section_cstart, $3  }
0xc2: {  	[dreg:$0x1] =	wrdreg $0xFFFFFFFF  }
0xc3: {  	_ =	task.clear_ibuf [dreg:s7], $0x2FFFF;
	_ =	strace $0x9FFFFFFF  }
0xc4: {  	(tm) =	ssettm $0x7FFFFFFF  }
0xc5: {  	_ =	shalt  }
tec
execute0_lowered:
.L_overlay_start_1:
0x0: {  	(tag) =	ssettag $0x1  }
0x1: {  	s4 =	rddreg [dreg:$0x0]  }
0x2: {  	s5 =	rddreg [dreg:$0x1];
	s0 =	srdreg.scid  }
0x3: {  	s1 =	rddreg [dreg:$0x2];
	s6 =	stileid.u32;
	s8 =	sand.u32 $0x1, s0  }
0x4: {  	s2 =	rddreg [dreg:$0x3];
	s3 =	simm.s32 $0x0;
	s11 =	ssub.s32 $0x2, s8  }
0x5: {  	s13 =	simm.s32 $0x1540;
	p1 =	por $0x0, $0x0;
	s12 =	sshrl.u32 s11, $0x1  }
0x6: {  	s7 =	sshll.u32 s6, $0x1;
	s0 =	rddreg [dreg:$0x4];
	s30 =	ssub.s32 s11, s12  }
0x7: {  	[smem:$0x7FF] =	sst s3;
	s9 =	sor.u32 s8, s7;
	s31 =	smax.u32 s30, $0x1  }
0x8: {  	s15 =	sadd.s32 $0x8000, s4;
	s7 =	smul.u32 $0x280, s9;
	s18 =	sadd.s32 $0xFFFFFFFF, s31  }
0x9: {  	p0 =	sne.s32 s6, $0x0;
	s9 =	smul.u32 $0x28, s9;
	p2 =	sne.s32 s18, $0x0  }
.Ltmp0:
0xa: {  	_ =	strace $0x8000004D;
	s8 =	sshll.u32 s8, $0x8;
	(pc) =	sbr.rel @!p2 .LBB2_3-.Ltmp0, $4  }
0xb: {  	s6 =	sshrl.u32 @!p0 s2, $0x3;
	s12 =	simm.s32 $0x2;
	s10 =	sadd.s32 s7, s4  }
0xc: {  	s7 =	sadd.s32 $0x7C00, s4;
	s4 =	sadd.s32 s8, s4;
	s14 =	sadd.s32 s5, s9  }
0xd: {  	s8 =	sshrl.u32 @!p0 s1, $0x3;
	s9 =	simm.s32 $0x1;
	s11 =	sadd.s32 $0x2C00, s10  }
0xe: {  	s5 =	sadd.s32 $0x8400, s4;
	s4 =	sadd.s32 $0x8200, s4;
	s10 =	simm.s32 $0x140  }
0xf: {  	s17 =	simm.s32 @!p0 $0x1C02;
	s16 =	simm.s32 @!p0 $0x2  }
0x10: {  	[spmem:s8], [sflag:s17] =	dma.local @!p0 [hbm:s15], $0x100  }
0x11: {  	_ =	swait.ge @!p0 [sflag:s16], $0x100  }
0x12: {  	[sflag:s16] =	ssyncset.done @!p0 $0x0  }
0x13: {  	[sflag:s16] =	ssyncadd.s32 @!p0 $0xFFFFFF00  }
0x14: {  	[spmem:s6], [sflag:s17] =	dma.local @!p0 [hbm:s15], $0x100  }
0x15: {  	_ =	swait.ge @!p0 [sflag:s16], $0x100  }
0x16: {  	[sflag:s16] =	ssyncset.done @!p0 $0x0  }
0x17: {  	[sflag:s16] =	ssyncadd.s32 @!p0 $0xFFFFFF00  }
0x18: {  	[tilespmem:s3], [sflag:$0x2] =	stream.linear.gather [hbm4b:s14+s3], $0x140, $0x38;
	[tilespmem:$0x2A40] =	vst v63  }
0x19: {  	_ =	swait.ge [sflag:s12], $0x140  }
0x1a: {  	[sflag:s12] =	ssyncset.done $0x0  }
0x1b: {  	[sflag:s12] =	ssyncadd.s32 $0xFFFFFEC0  }
0x1c: {  	[tilespmem:s10], [sflag:$0x2] =	stream.linear.gather [hbm4b:s11+s3], $0x1400, $0x38;
	[tilespmem:$0x2A40] =	vst v63  }
0x1d: {  	_ =	swait.ge [sflag:s12], $0x1400  }
0x1e: {  	[sflag:s12] =	ssyncset.done $0x0  }
0x1f: {  	[sflag:s12] =	ssyncadd.s32 $0xFFFFEC00  }
0x20: {  	[tilespmem:s13], [sflag:$0x2] =	stream.linear.gather [hbm4b:s7+s3], $0x1400, $0x38;
	[tilespmem:$0x2A40] =	vst v63  }
0x21: {  	_ =	swait.ge [sflag:s12], $0x1400  }
0x22: {  	[sflag:s12] =	ssyncset.done $0x0  }
0x23: {  	[sflag:s12] =	ssyncadd.s32 $0xFFFFEC00  }
0x24: {  	[bflag:$0x0] =	sbarrier.arrive $0xFFFF  }
0x25: {  	[spmem:s1] =	stream.indirect.scatter.add.f32 [tilespmem:s10], [sflag:$0x1], $0x10, s3, s10, $0xb8;
	[tilespmem:$0x2A40] =	vst v63  }
0x26: {  	_ = 	snop  }
0x27: {  	[spmem:s2] =	stream.indirect.scatter.add.f32 [tilespmem:s13], [sflag:$0x1], $0x10, s3, s10, $0xb8;
	[tilespmem:$0x2A40] =	vst v63  }
0x28: {  	_ =	swait.ge [sflag:s9], $0x1400  }
0x29: {  	[sflag:s9] =	ssyncset.done $0x0  }
0x2a: {  	[sflag:s9] =	ssyncadd.s32 $0xFFFFEC00  }
0x2b: {  	_ =	swait.ge [sflag:s9], $0x1400  }
0x2c: {  	[sflag:s9] =	ssyncset.done $0x0  }
0x2d: {  	[sflag:s9] =	ssyncadd.s32 $0xFFFFEC00  }
0x2e: {  	s18 =	sadd.s32 $0xFFFFFFFF, s18;
	[bflag:$0x0] =	sbarrier.arrive $0xFFFF  }
0x2f: {  	[hbm:s5], [sflag:s17] =	dma.local @!p0 [spmem:s8], $0x100  }
0x30: {  	p2 =	sne.s32 s18, $0x0;
	_ =	swait.ge @!p0 [sflag:s16], $0x100  }
.Ltmp1:
0x31: {  	[sflag:s16] =	ssyncset.done @!p0 $0x0;
	(pc) =	sbr.rel @!p2 .LBB2_3-.Ltmp1, $4  }
0x32: {  	[sflag:s16] =	ssyncadd.s32 @!p0 $0xFFFFFF00  }
0x33: {  	[hbm:s4], [sflag:s17] =	dma.local @!p0 [spmem:s6], $0x100  }
0x34: {  	_ =	swait.ge @!p0 [sflag:s16], $0x100  }
0x35: {  	p1 =	por $0x1, $0x1;
	[sflag:s16] =	ssyncset.done @!p0 $0x0  }
.LBB2_2:
0x36: {  	[sflag:s16] =	ssyncadd.s32 @!p0 $0xFFFFFF00  }
0x37: {  	[spmem:s8], [sflag:s17] =	dma.local @!p0 [hbm:s15], $0x100  }
0x38: {  	s18 =	sadd.s32 $0xFFFFFFFF, s18;
	_ =	swait.ge @!p0 [sflag:s16], $0x100  }
0x39: {  	p2 =	sne.s32 s18, $0x0;
	[sflag:s16] =	ssyncset.done @!p0 $0x0  }
0x3a: {  	[sflag:s16] =	ssyncadd.s32 @!p0 $0xFFFFFF00  }
0x3b: {  	[spmem:s6], [sflag:s17] =	dma.local @!p0 [hbm:s15], $0x100  }
0x3c: {  	_ =	swait.ge @!p0 [sflag:s16], $0x100  }
0x3d: {  	[sflag:s16] =	ssyncset.done @!p0 $0x0  }
0x3e: {  	[sflag:s16] =	ssyncadd.s32 @!p0 $0xFFFFFF00  }
0x3f: {  	[tilespmem:s3], [sflag:$0x2] =	stream.linear.gather [hbm4b:s14+s3], $0x140, $0x38;
	[tilespmem:$0x2A40] =	vst v63  }
0x40: {  	_ =	swait.ge [sflag:s12], $0x140  }
0x41: {  	[sflag:s12] =	ssyncset.done $0x0  }
0x42: {  	[sflag:s12] =	ssyncadd.s32 $0xFFFFFEC0  }
0x43: {  	[tilespmem:s10], [sflag:$0x2] =	stream.linear.gather [hbm4b:s11+s3], $0x1400, $0x38;
	[tilespmem:$0x2A40] =	vst v63  }
0x44: {  	_ =	swait.ge [sflag:s12], $0x1400  }
0x45: {  	[sflag:s12] =	ssyncset.done $0x0  }
0x46: {  	[sflag:s12] =	ssyncadd.s32 $0xFFFFEC00  }
0x47: {  	[tilespmem:s13], [sflag:$0x2] =	stream.linear.gather [hbm4b:s7+s3], $0x1400, $0x38;
	[tilespmem:$0x2A40] =	vst v63  }
0x48: {  	_ =	swait.ge [sflag:s12], $0x1400  }
0x49: {  	[sflag:s12] =	ssyncset.done $0x0  }
0x4a: {  	[sflag:s12] =	ssyncadd.s32 $0xFFFFEC00  }
0x4b: {  	[bflag:$0x0] =	sbarrier.arrive $0xFFFF  }
0x4c: {  	[spmem:s1] =	stream.indirect.scatter.add.f32 [tilespmem:s10], [sflag:$0x1], $0x10, s3, s10, $0xb8;
	[tilespmem:$0x2A40] =	vst v63  }
0x4d: {  	_ = 	snop  }
0x4e: {  	[spmem:s2] =	stream.indirect.scatter.add.f32 [tilespmem:s13], [sflag:$0x1], $0x10, s3, s10, $0xb8;
	[tilespmem:$0x2A40] =	vst v63  }
0x4f: {  	_ =	swait.ge [sflag:s9], $0x1400  }
0x50: {  	[sflag:s9] =	ssyncset.done $0x0  }
0x51: {  	[sflag:s9] =	ssyncadd.s32 $0xFFFFEC00  }
0x52: {  	_ =	swait.ge [sflag:s9], $0x1400  }
0x53: {  	[sflag:s9] =	ssyncset.done $0x0  }
0x54: {  	[sflag:s9] =	ssyncadd.s32 $0xFFFFEC00  }
0x55: {  	[bflag:$0x0] =	sbarrier.arrive $0xFFFF  }
0x56: {  	[hbm:s5], [sflag:s17] =	dma.local @!p0 [spmem:s8], $0x100  }
0x57: {  	_ =	swait.ge @!p0 [sflag:s16], $0x100  }
.Ltmp2:
0x58: {  	[sflag:s16] =	ssyncset.done @!p0 $0x0;
	(pc) =	sbr.rel @p2 .LBB2_2-.Ltmp2, $4  }
0x59: {  	[sflag:s16] =	ssyncadd.s32 @!p0 $0xFFFFFF00  }
0x5a: {  	[hbm:s4], [sflag:s17] =	dma.local @!p0 [spmem:s6], $0x100  }
0x5b: {  	_ =	swait.ge @!p0 [sflag:s16], $0x100  }
0x5c: {  	[sflag:s16] =	ssyncset.done @!p0 $0x0  }
.LBB2_3:
0x5d: {  	p1 =	por p0, !p1  }
0x5e: {  	s17 =	simm.s32 @!p0 $0x1C02;
	s18 =	simm.s32 @!p0 $0x2;
	[sflag:s16] =	ssyncadd.s32 @!p1 $0xFFFFFF00  }
0x5f: {  	[spmem:s8], [sflag:s17] =	dma.local @!p0 [hbm:s15], $0x100  }
0x60: {  	_ =	swait.ge @!p0 [sflag:s18], $0x100  }
0x61: {  	[sflag:s18] =	ssyncset.done @!p0 $0x0  }
0x62: {  	[sflag:s18] =	ssyncadd.s32 @!p0 $0xFFFFFF00  }
0x63: {  	[spmem:s6], [sflag:s17] =	dma.local @!p0 [hbm:s15], $0x100  }
0x64: {  	_ =	swait.ge @!p0 [sflag:s18], $0x100  }
0x65: {  	[sflag:s18] =	ssyncset.done @!p0 $0x0  }
0x66: {  	[sflag:s18] =	ssyncadd.s32 @!p0 $0xFFFFFF00  }
0x67: {  	[tilespmem:s3], [sflag:$0x2] =	stream.linear.gather [hbm4b:s14+s3], $0x140, $0x38;
	[tilespmem:$0x2A40] =	vst v63  }
0x68: {  	_ =	swait.ge [sflag:s12], $0x140  }
0x69: {  	[sflag:s12] =	ssyncset.done $0x0  }
0x6a: {  	[sflag:s12] =	ssyncadd.s32 $0xFFFFFEC0  }
0x6b: {  	[tilespmem:s10], [sflag:$0x2] =	stream.linear.gather [hbm4b:s11+s3], $0x1400, $0x38;
	[tilespmem:$0x2A40] =	vst v63  }
0x6c: {  	_ =	swait.ge [sflag:s12], $0x1400  }
0x6d: {  	[sflag:s12] =	ssyncset.done $0x0  }
0x6e: {  	[sflag:s12] =	ssyncadd.s32 $0xFFFFEC00  }
0x6f: {  	[tilespmem:s13], [sflag:$0x2] =	stream.linear.gather [hbm4b:s7+s3], $0x1400, $0x38;
	[tilespmem:$0x2A40] =	vst v63  }
0x70: {  	_ =	swait.ge [sflag:s12], $0x1400  }
0x71: {  	[sflag:s12] =	ssyncset.done $0x0  }
0x72: {  	[sflag:s12] =	ssyncadd.s32 $0xFFFFEC00  }
0x73: {  	[bflag:$0x0] =	sbarrier.arrive $0xFFFF  }
0x74: {  	[spmem:s1] =	stream.indirect.scatter.add.f32 [tilespmem:s10], [sflag:$0x1], $0x10, s3, s10, $0xb8;
	[tilespmem:$0x2A40] =	vst v63  }
0x75: {  	_ = 	snop  }
0x76: {  	[spmem:s2] =	stream.indirect.scatter.add.f32 [tilespmem:s13], [sflag:$0x1], $0x10, s3, s10, $0xb8;
	[tilespmem:$0x2A40] =	vst v63  }
0x77: {  	_ =	swait.ge [sflag:s9], $0x1400  }
0x78: {  	[sflag:s9] =	ssyncset.done $0x0  }
0x79: {  	[sflag:s9] =	ssyncadd.s32 $0xFFFFEC00  }
0x7a: {  	_ =	swait.ge [sflag:s9], $0x1400  }
0x7b: {  	[sflag:s9] =	ssyncset.done $0x0  }
0x7c: {  	[sflag:s9] =	ssyncadd.s32 $0xFFFFEC00  }
0x7d: {  	[bflag:$0x0] =	sbarrier.arrive $0xFFFF  }
0x7e: {  	[hbm:s5], [sflag:s17] =	dma.local @!p0 [spmem:s8], $0x100  }
0x7f: {  	_ =	swait.ge @!p0 [sflag:s18], $0x100  }
0x80: {  	[sflag:s18] =	ssyncset.done @!p0 $0x0  }
0x81: {  	[sflag:s18] =	ssyncadd.s32 @!p0 $0xFFFFFF00  }
0x82: {  	[hbm:s4], [sflag:s17] =	dma.local @!p0 [spmem:s6], $0x100  }
0x83: {  	_ =	swait.ge @!p0 [sflag:s18], $0x100  }
0x84: {  	[sflag:s18] =	ssyncset.done @!p0 $0x0  }
0x85: {  	[sflag:s18] =	ssyncadd.s32 @!p0 $0xFFFFFF00  }
0x86: {  	_ =	sfence.sel $0x180000  }
0x87: {  	[bflag:$0x0] =	sbarrier.arrive $0xFFFF  }
0x88: {  	_ =	strace $0x9000004D  }
0x89: {  	s0 =	sadd.s32 @!p0 $0x100000, s0;
	[bflag:$0x2] =	sbarrier.arrive $0xFFFF  }
0x8a: {  	[sflag:s0] =	ssyncadd.tile.s32 @!p0 $0x1;
	_ =	shalt  }
.Lfunc_end2:
_tile_overlayer_lowered:
.L_overlay_start_2:
0x8b: {  	(tag) =	ssettag $0x2  }
0x8c: {  	s0 =	rddreg [dreg:$0x0];
	s2 =	stileid.u32  }
0x8d: {  	s1 =	rddreg [dreg:$0x1];
	p0 =	sne.s32 s2, $0x0  }
0x8e: {  	s3 =	rddreg [dreg:$0x2];
	[bflag:$0x3] =	sbarrier.arrive $0xFFFF;
	s2 =	simm.s32 @!p0 $0x1C02  }
0x8f: {  	[timem:s3], [sflag:s2] =	dma.local @!p0 [hbm:s0], s1  }
0x90: {  	s0 =	simm.s32 @!p0 $0x2  }
0x91: {  	_ =	swait.ge @!p0 [sflag:s0], s1  }
0x92: {  	s1 =	ssub.s32 @!p0 $0x0, s1;
	[sflag:s0] =	ssyncset.done @!p0 $0x0  }
0x93: {  	[sflag:s0] =	ssyncadd.s32 @!p0 s1  }
0x94: {  	[bflag:$0x3] =	sbarrier.arrive $0xFFFF  }
0x95: {  	_ =	shalt  }

// kernel: kernel.9.cloned.1.call-start
scs
__scs_entry_jumppad:
0x0: {  	(pc) =	sbr.rel $0x88, $3  }
0x1: {  	(tag) =	ssettag $0x0;
	lr =	simm.s32 $0x1  }
0x2: {  	[smem:$0x3F96] =	sst lr;
	_ =	strace $0xD0000000  }
0x3: {  	_ = 	snop  }
0x4: {  	_ = 	snop  }
0x5: {  	_ = 	snop  }
0x6: {  	_ = 	snop  }
0x7: {  	_ = 	snop  }
__scs_overlays_trampoline_lowered:
0x8: {  	[smem:$0x3FA5] =	sst s0  }
0x9: {  	[smem:$0x3FA6] =	sst s1  }
0xa: {  	[smem:$0x3FA7] =	sst s2  }
0xb: {  	[smem:$0x3FA8] =	sst s3  }
0xc: {  	[smem:$0x3FA9] =	sst s4  }
0xd: {  	[smem:$0x3FAA] =	sst s5  }
0xe: {  	[smem:$0x3FAB] =	sst s6  }
0xf: {  	[smem:$0x3FAC] =	sst s7  }
0x10: {  	[smem:$0x3FAD] =	sst s8  }
0x11: {  	[smem:$0x3FAE] =	sst s9;
	s0 =	simm.s32 @!p0 $0x0  }
0x12: {  	s1 =	sld [smem:$0x3F94];
	s0 =	simm.s32 @p0 $0x1  }
0x13: {  	[smem:$0x3FAF] =	sst s0;
	s0 =	simm.s32 @!p1 $0x0  }
0x14: {  	s2 =	sld [smem:$0x3F93];
	s0 =	simm.s32 @p1 $0x1  }
0x15: {  	[smem:$0x3FB0] =	sst s0;
	s0 =	simm.s32 @!p2 $0x0  }
0x16: {  	s3 =	sld [smem:$0x3FDB];
	s0 =	simm.s32 @p2 $0x1  }
0x17: {  	s4 =	simm.s32 $0x1BF5;
	[smem:$0x3FB2] =	sst s0  }
0x18: {  	s0 =	sld [smem:$0x3F95];
	_ =	swait.ge [sflag:s4], $0x0  }
0x19: {  	s7 =	sld [smem:$0x3F96]  }
0x1a: {  	s8 =	sadd.s32 $0xFFFFE003, lr  }
0x1b: {  	s9 =	sadd.s32 $0xFFFFFEF7, lr;
	s5 =	simm.s32 $0xFFFFFFFF;
	p2 =	slt.u32 s8, $0xFFFFF086  }
0x1c: {  	p1 =	slt.u32 s9, $0xF7A;
	s5 =	simm.s32 @!p2 $0x0  }
0x1d: {  	s5 =	simm.s32 @p1 $0x1;
	p0 =	seq.s32 s7, s2  }
0x1e: {  	s7 =	smul.u32 @!p0 $0xF7A, s2;
	p2 =	seq.s32 @!p0 s5, $0x0  }
0x1f: {  	s9 =	smul.u32 $0xF7A, s1;
	s8 =	simm.s32 @!p0 $0x1BF5;
	p2 =	por !p2, p0  }
0x20: {  	[sflag:s8] =	ssyncset.s32 @!p0 $0xFFFFF086;
	s6 =	sadd.s32 @!p0 s3, s7;
	s7 =	simm.s32 @!p0 $0x108  }
0x21: {  	s3 =	sadd.s32 s3, s9;
	s6 =	sadd.s32 @!p0 $0x88, s6;
	s7 =	simm.s32 @p2 $0x1082  }
0x22: {  	[simem:s7], [sflag:s8] =	dma.local @!p0 [hbm:s6], $0xF7A  }
0x23: {  	s9 =	sor.u32 $0xD0000000, s2;
	s6 =	simm.s32 $0x108;
	_ =	swait.ge @!p0 [sflag:s8], $0x0  }
0x24: {  	s3 =	sadd.s32 $0x88, s3;
	s6 =	simm.s32 @!p1 $0x1082;
	[sflag:s4] =	ssyncset.s32 $0xFFFFF086  }
0x25: {  	[simem:s6], [sflag:s4] =	dma.local [hbm:s3], $0xF7A  }
0x26: {  	[smem:$0x3F96] =	sst s1;
	(tag) =	ssettag s2;
	_ =	strace s9  }
0x27: {  	s1 =	sld [smem:$0x3FA6]  }
0x28: {  	s2 =	sld [smem:$0x3FA7]  }
0x29: {  	s4 =	sld [smem:$0x3FA9]  }
0x2a: {  	p0 =	seq.s32 s5, $0x0;
	s5 =	sld [smem:$0x3FAA]  }
0x2b: {  	s6 =	sld [smem:$0x3FAB]  }
0x2c: {  	s7 =	sld [smem:$0x3FAC]  }
0x2d: {  	s3 =	simm.s32 $0x108;
	s8 =	sld [smem:$0x3FAD]  }
0x2e: {  	s3 =	simm.s32 @!p0 $0x1082;
	s9 =	sld [smem:$0x3FAE]  }
0x2f: {  	lr =	sadd.s32 s0, s3;
	s0 =	sld [smem:$0x3FA5]  }
0x30: {  	s3 =	sld [smem:$0x3FA8]  }
0x31: {  	[smem:$0x3FB1] =	sst s10  }
0x32: {  	s10 =	sld [smem:$0x3FAF];
	_ =	sdelay $0x3  }
0x33: {  	p0 =	seq.s32 s10, $0x1;
	s10 =	sld [smem:$0x3FB1];
	_ =	sdelay $0x3  }
0x34: {  	[smem:$0x3FB1] =	sst s10  }
0x35: {  	s10 =	sld [smem:$0x3FB0];
	_ =	sdelay $0x3  }
0x36: {  	p1 =	seq.s32 s10, $0x1;
	s10 =	sld [smem:$0x3FB1];
	_ =	sdelay $0x3  }
0x37: {  	[smem:$0x3FB1] =	sst s10  }
0x38: {  	s10 =	sld [smem:$0x3FB2]  }
0x39: {  	_ = 	snop;
	(pc) =	sbr.ind lr, $3  }
0x3a: {  	_ = 	snop  }
0x3b: {  	_ = 	snop  }
0x3c: {  	p2 =	seq.s32 s10, $0x1;
	s10 =	sld [smem:$0x3FB1]  }
0x3d: {  	_ =	shalt  }
0x3e: {  	_ =	shalt  }
0x3f: {  	_ =	shalt  }
0x40: {  	_ =	shalt  }
0x41: {  	_ =	shalt  }
0x42: {  	_ =	shalt  }
0x43: {  	_ =	shalt  }
0x44: {  	_ =	shalt  }
0x45: {  	_ =	shalt  }
0x46: {  	_ =	shalt  }
0x47: {  	_ =	shalt  }
0x48: {  	_ =	shalt  }
0x49: {  	_ =	shalt  }
0x4a: {  	_ =	shalt  }
0x4b: {  	_ =	shalt  }
0x4c: {  	_ =	shalt  }
0x4d: {  	_ =	shalt  }
0x4e: {  	_ =	shalt  }
0x4f: {  	_ =	shalt  }
0x50: {  	_ =	shalt  }
0x51: {  	_ =	shalt  }
0x52: {  	_ =	shalt  }
0x53: {  	_ =	shalt  }
0x54: {  	_ =	shalt  }
0x55: {  	_ =	shalt  }
0x56: {  	_ =	shalt  }
0x57: {  	_ =	shalt  }
0x58: {  	_ =	shalt  }
0x59: {  	_ =	shalt  }
0x5a: {  	_ =	shalt  }
0x5b: {  	_ =	shalt  }
0x5c: {  	_ =	shalt  }
0x5d: {  	_ =	shalt  }
0x5e: {  	_ =	shalt  }
0x5f: {  	_ =	shalt  }
0x60: {  	_ =	shalt  }
0x61: {  	_ =	shalt  }
0x62: {  	_ =	shalt  }
0x63: {  	_ =	shalt  }
0x64: {  	_ =	shalt  }
0x65: {  	_ =	shalt  }
0x66: {  	_ =	shalt  }
0x67: {  	_ =	shalt  }
0x68: {  	_ =	shalt  }
0x69: {  	_ =	shalt  }
0x6a: {  	_ =	shalt  }
0x6b: {  	_ =	shalt  }
0x6c: {  	_ =	shalt  }
0x6d: {  	_ =	shalt  }
0x6e: {  	_ =	shalt  }
0x6f: {  	_ =	shalt  }
0x70: {  	_ =	shalt  }
0x71: {  	_ =	shalt  }
0x72: {  	_ =	shalt  }
0x73: {  	_ =	shalt  }
0x74: {  	_ =	shalt  }
0x75: {  	_ =	shalt  }
0x76: {  	_ =	shalt  }
0x77: {  	_ =	shalt  }
0x78: {  	_ =	shalt  }
0x79: {  	_ =	shalt  }
0x7a: {  	_ =	shalt  }
0x7b: {  	_ =	shalt  }
0x7c: {  	_ =	shalt  }
0x7d: {  	_ =	shalt  }
0x7e: {  	_ =	shalt  }
0x7f: {  	_ =	shalt  }
0x80: {  	_ =	shalt  }
0x81: {  	_ =	shalt  }
0x82: {  	_ =	shalt  }
0x83: {  	_ =	shalt  }
0x84: {  	_ =	shalt  }
0x85: {  	_ =	shalt  }
0x86: {  	_ =	shalt  }
0x87: {  	_ =	shalt  }
.Lfunc_end0:
.L_simem_size_0:
called_computation_lowered:
.L_overlay_start_0:
0x88: {  	s2 =	sld [smem:$0x3FD9]  }
0x89: {  	s3 =	sld [smem:$0x3FFE];
	_ =	sdelay $0x1  }
0x8a: {  	s1 =	srdreg.scid  }
0x8b: {  	s0 =	sand.u32 $0x1, s1  }
0x8c: {  	s17 =	sshll.u32 s0, $0xA;
	s2 =	sadd.s32 s3, s2  }
0x8d: {  	s2 =	sadd.s32 s2, s17  }
0x8e: {  	[smem:$0x3FBD] =	sst s2  }
0x8f: {  	_ = 	snop  }
0x90: {  	s2 =	sld [smem:$0x3FD0];
	(tm) =	ssettm $0x1  }
0x91: {  	s18 =	sld [smem:$0x3FFB];
	_ =	sdelay $0x3  }
0x92: {  	_ =	strace s18  }
0x93: {  	s3 =	sld [smem:$0x3FFC];
	_ =	sdelay $0x3  }
0x94: {  	_ =	strace s3  }
0x95: {  	s3 =	sld [smem:$0x3FFD];
	_ =	sdelay $0x3  }
0x96: {  	_ =	strace s3  }
0x97: {  	_ =	strace $0x8FFFFFFF  }
0x98: {  	s19 =	sld [smem:$0x3FDB];
	_ =	sdelay $0x1  }
0x99: {  	s4 =	simm.s32 $_scs_section_size  }
0x9a: {  	s5 =	simm.s32 $_size__tile_overlayer_lowered;
	s6 =	simm.s32 $_tile_overlayer_lowered  }
0x9b: {  	s22 =	simm.s32 $0x1BFF;
	s21 =	sshll.u32 s6, $0x1;
	s3 =	sadd.s32 s4, s19  }
0x9c: {  	s7 =	simm.s32 $0x0;
	s20 =	sshll.u32 s5, $0x1;
	s5 =	sadd.s32 s21, s3  }
0x9d: {  	[timem:s7], [sflag:s22] =	dma.local [hbm:s5], s20  }
0x9e: {  	_ =	swait.ge [sflag:s22], s20  }
0x9f: {  	s4 =	ssub.s32 $0x0, s20;
	[sflag:s22] =	ssyncset.done $0x0  }
0xa0: {  	[sflag:s22] =	ssyncadd.s32 s4;
	_ =	sdelay $0x1  }
0xa1: {  	s23 =	simm.s32 $0x1B8B  }
0xa2: {  	_ =	swait.ge [sflag:s23], $0x1  }
0xa3: {  	[sflag:s23] =	ssyncset.done $0x0  }
0xa4: {  	s25 =	simm.s32 $0x1B8E;
	s24 =	sld [smem:$0x3FFE];
	[sflag:s23] =	ssyncadd.s32 $0xFFFFFFFF  }
0xa5: {  	s26 =	simm.s32 $execute0_lowered;
	[smem:$0x3FD2] =	sst s25  }
0xa6: {  	s5 =	sshll.u32 s26, $0x1;
	_ =	strace $0x80000046;
	[dreg:$0x1] =	wrdreg $0xFFFFFFFF  }
0xa7: {  	s28 =	simm.s32 $_size_execute0_lowered;
	s3 =	sadd.s32 s3, s5;
	[dreg:$0x0] =	wrdreg $0x0  }
0xa8: {  	s5 =	sshll.u32 s28, $0x1;
	[dreg:$0x2] =	wrdreg s3  }
0xa9: {  	[dreg:$0x3] =	wrdreg s5  }
0xaa: {  	[dreg:$0x4] =	wrdreg $0xC0  }
0xab: {  	_ =	task [dreg:s7], $0x5FFFF  }
0xac: {  	[dreg:$0x1] =	wrdreg $0xFFFFFFFF  }
0xad: {  	[dreg:$0x0] =	wrdreg $0x60  }
0xae: {  	[dreg:$0x2] =	wrdreg s24  }
0xaf: {  	[dreg:$0x3] =	wrdreg s2  }
0xb0: {  	[dreg:$0x4] =	wrdreg $0x28800  }
0xb1: {  	[dreg:$0x5] =	wrdreg $0x9  }
0xb2: {  	_ =	task.clear_ibuf [dreg:s7], $0x6FFFF;
	_ =	strace $0x90000046  }
0xb3: {  	s29 =	simm.s32 $0x9;
	_ =	strace $0x80000048  }
0xb4: {  	_ =	swait.ge [sflag:s29], $0x1  }
0xb5: {  	[sflag:s29] =	ssyncadd.s32 $0xFFFFFFFF  }
0xb6: {  	_ =	strace $0x90000048  }
0xb7: {  	_ =	sfence  }
0xb8: {  	s30 =	sld [smem:$0x0];
	_ =	sdelay $0x2  }
0xb9: {  	s31 =	sshll.u32 s1, $0xD;
	s1 =	sshrl.u32 s1, $0x2  }
0xba: {  	s3 =	sand.u32 $0x4000, s31;
	s1 =	sadd.s32 s1, s30  }
0xbb: {  	s0 =	sor.u32 s3, s0;
	s1 =	sshll.u32 s1, $0x11  }
0xbc: {  	s0 =	sor.u32 s1, s0  }
0xbd: {  	s0 =	sadd.s32 $0x8F2B, s0  }
0xbe: {  	[sflag:s0] =	ssyncadd.remote.s32 $0x1  }
0xbf: {  	_ =	sfence.sel $0xFFFF  }
0xc0: {  	[dreg:$0x0] =	wrdreg $0xFFFFFFFF;
	(pc) =	sbr.abs _section_cstart, $3  }
0xc1: {  	[dreg:$0x1] =	wrdreg $0xFFFFFFFF  }
0xc2: {  	_ =	task.clear_ibuf [dreg:s7], $0x2FFFF;
	_ =	strace $0x9FFFFFFF  }
0xc3: {  	(tm) =	ssettm $0x7FFFFFFF  }
tec
execute0_lowered:
.L_overlay_start_1:
0x0: {  	(tag) =	ssettag $0x1  }
0x1: {  	s5 =	rddreg [dreg:$0x0]  }
0x2: {  	s1 =	rddreg [dreg:$0x1]  }
0x3: {  	s2 =	rddreg [dreg:$0x2]  }
0x4: {  	s0 =	rddreg [dreg:$0x3];
	s3 =	simm.s32 $0x0;
	s4 =	srdreg.scid  }
0x5: {  	s8 =	stileid.u32;
	s12 =	simm.s32 $0x1;
	s13 =	simm.s32 $0x0  }
0x6: {  	[smem:$0x7FF] =	sst s3;
	s6 =	sand.u32 $0x1, s4;
	s4 =	sadd.s32 $0x16C00, s5  }
0x7: {  	s11 =	sshll.u32 s8, $0x1;
	s31 =	sadd.s32 $0xCC00, s5;
	p0 =	sne.s32 s8, $0x0  }
0x8: {  	s8 =	simm.s32 $0x2800;
	s7 =	smul.u32 $0x500, s6;
	s9 =	ssub.s32 $0x2, s6  }
0x9: {  	_ =	strace $0x80000047;
	s6 =	sor.u32 s6, s11;
	s10 =	sshrl.u32 s9, $0x1  }
0xa: {  	s11 =	smul.u32 $0x500, s6;
	s7 =	sadd.s32 s7, s5;
	s9 =	ssub.s32 s9, s10  }
0xb: {  	s5 =	sadd.s32 $0x16E00, s7;
	s6 =	smax.u32 s9, $0x1;
	s7 =	sshrl.u32 @!p0 s2, $0x3  }
0xc: {  	s9 =	simm.s32 $0x2;
	s10 =	sadd.s32 s11, s31;
	s11 =	simm.s32 $0x80  }
.LBB2_1:
0xd: {  	s14 =	simm.s32 @!p0 $0x1C02  }
0xe: {  	[spmem:s7], [sflag:s14] =	dma.local @!p0 [hbm:s1], $0x500  }
0xf: {  	s14 =	simm.s32 @!p0 $0x2  }
0x10: {  	_ =	swait.ge @!p0 [sflag:s14], $0x500  }
0x11: {  	[sflag:s14] =	ssyncset.done @!p0 $0x0  }
0x12: {  	[sflag:s14] =	ssyncadd.s32 @!p0 $0xFFFFFB00  }
0x13: {  	[tilespmem:s8], [sflag:$0x2] =	stream.linear.gather [hbm4b:s4+s3], $0x80, $0x38;
	[tilespmem:$0x2B00] =	vst v63  }
0x14: {  	_ =	swait.ge [sflag:s9], $0x80  }
0x15: {  	[sflag:s9] =	ssyncset.done $0x0  }
0x16: {  	[sflag:s9] =	ssyncadd.s32 $0xFFFFFF80  }
0x17: {  	[tilespmem:s3], [sflag:$0x2] =	stream.linear.gather [hbm4b:s10+s3], $0x2800, $0x38;
	[tilespmem:$0x2B00] =	vst v63  }
0x18: {  	_ =	swait.ge [sflag:s9], $0x2800  }
0x19: {  	[sflag:s9] =	ssyncset.done $0x0  }
0x1a: {  	[sflag:s9] =	ssyncadd.s32 $0xFFFFD800  }
0x1b: {  	s28 =	simm.s32 $0x0;
	[bflag:$0x0] =	sbarrier.arrive $0xFFFF  }
0x1c: {  	[spmem:s2] =	stream.indirect.scatter.add.f32 [tilespmem:s8], [sflag:$0x1], $0x1, s28, s11, $0xb8;
	[tilespmem:$0x2B00] =	vst v63  }
0x1d: {  	s29 =	simm.s32 $0x80  }
0x1e: {  	[spmem:s2] =	stream.indirect.scatter.add.f32 [tilespmem:s8], [sflag:$0x1], $0x1, s29, s11, $0xb8;
	[tilespmem:$0x2B00] =	vst v63  }
0x1f: {  	s30 =	simm.s32 $0x100  }
0x20: {  	[spmem:s2] =	stream.indirect.scatter.add.f32 [tilespmem:s8], [sflag:$0x1], $0x1, s30, s11, $0xb8;
	[tilespmem:$0x2B00] =	vst v63  }
0x21: {  	s31 =	simm.s32 $0x180  }
0x22: {  	[spmem:s2] =	stream.indirect.scatter.add.f32 [tilespmem:s8], [sflag:$0x1], $0x1, s31, s11, $0xb8;
	[tilespmem:$0x2B00] =	vst v63  }
0x23: {  	_ =	swait.ge [sflag:s12], $0x80  }
0x24: {  	[sflag:s12] =	ssyncset.done $0x0  }
0x25: {  	[sflag:s12] =	ssyncadd.s32 $0xFFFFFF80  }
0x26: {  	_ =	swait.ge [sflag:s12], $0x80  }
0x27: {  	[sflag:s12] =	ssyncset.done $0x0  }
0x28: {  	[sflag:s12] =	ssyncadd.s32 $0xFFFFFF80  }
0x29: {  	_ =	swait.ge [sflag:s12], $0x80  }
0x2a: {  	[sflag:s12] =	ssyncset.done $0x0  }
0x2b: {  	[sflag:s12] =	ssyncadd.s32 $0xFFFFFF80  }
0x2c: {  	_ =	swait.ge [sflag:s12], $0x80  }
0x2d: {  	s15 =	simm.s32 $0x1000;
	s14 =	simm.s32 $0x800;
	[sflag:s12] =	ssyncset.done $0x0  }
.LBB2_2:
0x2e: {  	s16 =	sshra.s32 s14, $0x2  }
0x2f: {  	[sflag:s12] =	ssyncadd.s32 $0xFFFFFF80;
	s14 =	smov.u32 s15;
	s17 =	sadd.s32 $0x800, s15  }
0x30: {  	[spmem:s2] =	stream.indirect.scatter.add.f32 [tilespmem:s8], [sflag:$0x1], $0x1, s16, s11, $0xb8;
	[tilespmem:$0x2B00] =	vst v63  }
0x31: {  	p1 =	sne.s32 s15, $0x9800;
	s15 =	sadd.s32 $0x80, s16  }
0x32: {  	[spmem:s2] =	stream.indirect.scatter.add.f32 [tilespmem:s8], [sflag:$0x1], $0x1, s15, s11, $0xb8;
	[tilespmem:$0x2B00] =	vst v63  }
0x33: {  	s15 =	sadd.s32 $0x100, s16  }
0x34: {  	[spmem:s2] =	stream.indirect.scatter.add.f32 [tilespmem:s8], [sflag:$0x1], $0x1, s15, s11, $0xb8;
	[tilespmem:$0x2B00] =	vst v63  }
0x35: {  	s15 =	sadd.s32 $0x180, s16  }
0x36: {  	[spmem:s2] =	stream.indirect.scatter.add.f32 [tilespmem:s8], [sflag:$0x1], $0x1, s15, s11, $0xb8;
	[tilespmem:$0x2B00] =	vst v63  }
0x37: {  	_ =	swait.ge [sflag:s12], $0x80  }
0x38: {  	[sflag:s12] =	ssyncset.done $0x0  }
0x39: {  	[sflag:s12] =	ssyncadd.s32 $0xFFFFFF80  }
0x3a: {  	_ =	swait.ge [sflag:s12], $0x80  }
0x3b: {  	[sflag:s12] =	ssyncset.done $0x0  }
0x3c: {  	[sflag:s12] =	ssyncadd.s32 $0xFFFFFF80  }
.Ltmp0:
0x3d: {  	_ =	swait.ge [sflag:s12], $0x80;
	(pc) =	sbr.rel @p1 .LBB2_2-.Ltmp0, $4  }
0x3e: {  	[sflag:s12] =	ssyncset.done $0x0  }
0x3f: {  	[sflag:s12] =	ssyncadd.s32 $0xFFFFFF80  }
0x40: {  	_ =	swait.ge [sflag:s12], $0x80  }
0x41: {  	s15 =	smov.u32 s17;
	[sflag:s12] =	ssyncset.done $0x0  }
0x42: {  	s14 =	sshra.s32 s14, $0x2;
	[sflag:s12] =	ssyncadd.s32 $0xFFFFFF80  }
0x43: {  	[spmem:s2] =	stream.indirect.scatter.add.f32 [tilespmem:s8], [sflag:$0x1], $0x1, s14, s11, $0xb8;
	[tilespmem:$0x2B00] =	vst v63  }
0x44: {  	s15 =	sadd.s32 $0x80, s14  }
0x45: {  	[spmem:s2] =	stream.indirect.scatter.add.f32 [tilespmem:s8], [sflag:$0x1], $0x1, s15, s11, $0xb8;
	[tilespmem:$0x2B00] =	vst v63  }
0x46: {  	s31 =	sadd.s32 $0x100, s14  }
0x47: {  	[spmem:s2] =	stream.indirect.scatter.add.f32 [tilespmem:s8], [sflag:$0x1], $0x1, s31, s11, $0xb8;
	[tilespmem:$0x2B00] =	vst v63  }
0x48: {  	s14 =	sadd.s32 $0x180, s14  }
0x49: {  	[spmem:s2] =	stream.indirect.scatter.add.f32 [tilespmem:s8], [sflag:$0x1], $0x1, s14, s11, $0xb8;
	[tilespmem:$0x2B00] =	vst v63  }
0x4a: {  	_ =	swait.ge [sflag:s12], $0x80  }
0x4b: {  	[sflag:s12] =	ssyncset.done $0x0  }
0x4c: {  	[sflag:s12] =	ssyncadd.s32 $0xFFFFFF80  }
0x4d: {  	_ =	swait.ge [sflag:s12], $0x80  }
0x4e: {  	[sflag:s12] =	ssyncset.done $0x0  }
0x4f: {  	[sflag:s12] =	ssyncadd.s32 $0xFFFFFF80  }
0x50: {  	_ =	swait.ge [sflag:s12], $0x80  }
0x51: {  	[sflag:s12] =	ssyncset.done $0x0  }
0x52: {  	[sflag:s12] =	ssyncadd.s32 $0xFFFFFF80  }
0x53: {  	_ =	swait.ge [sflag:s12], $0x80  }
0x54: {  	[sflag:s12] =	ssyncset.done $0x0  }
0x55: {  	s13 =	sadd.s32 $0x1, s13;
	[sflag:s12] =	ssyncadd.s32 $0xFFFFFF80  }
0x56: {  	p1 =	sne.s32 s13, s6;
	s14 =	simm.s32 @!p0 $0x1C02;
	[bflag:$0x0] =	sbarrier.arrive $0xFFFF  }
0x57: {  	[hbm:s5], [sflag:s14] =	dma.local @!p0 [spmem:s7], $0x500  }
.Ltmp1:
0x58: {  	_ = 	snop;
	(pc) =	sbr.rel @p1 .LBB2_1-.Ltmp1, $4  }
0x59: {  	s14 =	simm.s32 @!p0 $0x2  }
0x5a: {  	_ =	swait.ge @!p0 [sflag:s14], $0x500  }
0x5b: {  	[sflag:s14] =	ssyncset.done @!p0 $0x0  }
0x5c: {  	[sflag:s14] =	ssyncadd.s32 @!p0 $0xFFFFFB00  }
0x5d: {  	_ =	sfence.sel $0x180000  }
0x5e: {  	[bflag:$0x0] =	sbarrier.arrive $0xFFFF  }
0x5f: {  	_ =	strace $0x90000047  }
0x60: {  	s0 =	sadd.s32 @!p0 $0x100000, s0;
	[bflag:$0x2] =	sbarrier.arrive $0xFFFF  }
0x61: {  	[sflag:s0] =	ssyncadd.tile.s32 @!p0 $0x1;
	_ =	shalt  }
.Lfunc_end2:
_tile_overlayer_lowered:
.L_overlay_start_2:
0x62: {  	(tag) =	ssettag $0x2  }
0x63: {  	s0 =	rddreg [dreg:$0x0];
	s2 =	stileid.u32  }
0x64: {  	s1 =	rddreg [dreg:$0x1];
	p0 =	sne.s32 s2, $0x0  }
0x65: {  	s3 =	rddreg [dreg:$0x2];
	[bflag:$0x3] =	sbarrier.arrive $0xFFFF;
	s2 =	simm.s32 @!p0 $0x1C02  }
0x66: {  	[timem:s3], [sflag:s2] =	dma.local @!p0 [hbm:s0], s1  }
0x67: {  	s0 =	simm.s32 @!p0 $0x2  }
0x68: {  	_ =	swait.ge @!p0 [sflag:s0], s1  }
0x69: {  	s1 =	ssub.s32 @!p0 $0x0, s1;
	[sflag:s0] =	ssyncset.done @!p0 $0x0  }
0x6a: {  	[sflag:s0] =	ssyncadd.s32 @!p0 s1  }
0x6b: {  	[bflag:$0x3] =	sbarrier.arrive $0xFFFF  }
0x6c: {  	_ =	shalt  }

</sc_bundles>
